<compile_context>
chip_gen: v7x
topology: tpu7x:2x2x1
jax: 0.10.2.dev20260603
libtpu: 0.0.44.dev20260713+nightly
codegen_flags: <defaults>
</compile_context>

<pallas_src>
import functools

import jax
import jax.numpy as jnp
from jax import lax
from jax.experimental import pallas as pl
from jax.experimental.pallas import tpu as pltpu
from jax.experimental.pallas import tpu_sc as plsc

N_NODES = 10000
DIM = 128
NUM_EDGES = 320000

_NC = 2
_NS = 16
_NW = _NC * _NS
_LANES = 16

_EPW = NUM_EDGES // _NW
_CHUNK = 80
_NCHUNKS = 125
_EPW_PAD = _CHUNK * _NCHUNKS
_GROUPS = _CHUNK // _LANES
_DPAIRS = DIM // 2
_UNROLL = 16


def _h_body(emb_ref, w_ref, b_ref, out_ref):
    acts = lax.dot_general(
        emb_ref[...], w_ref[...],
        dimension_numbers=(((1,), (1,)), ((), ())),
        preferred_element_type=jnp.float32,
    )
    out_ref[...] = jnp.maximum(acts + b_ref[...], 0.0).astype(jnp.bfloat16)


def _compute_h(emb, w0, b0):
    return pl.pallas_call(
        _h_body,
        out_shape=jax.ShapeDtypeStruct((N_NODES, DIM), jnp.bfloat16),
    )(emb, w0, b0)


_mesh = plsc.VectorSubcoreMesh(core_axis_name="c", subcore_axis_name="s")


@functools.partial(
    pl.kernel,
    mesh=_mesh,
    compiler_params=pltpu.CompilerParams(needs_layout_passes=False,
                                         use_tc_tiling_on_sc=False),
    out_type=jax.ShapeDtypeStruct((_NW, _LANES), jnp.float32),
    scratch_types=[
        pltpu.VMEM((_NCHUNKS, _CHUNK), jnp.int32),
        pltpu.VMEM((_NCHUNKS, _CHUNK), jnp.int32),
        pltpu.VMEM((_EPW_PAD,), jnp.float32),
        pltpu.VMEM((_CHUNK, _DPAIRS), jnp.int32),
        pltpu.VMEM((_CHUNK, _DPAIRS), jnp.int32),
        pltpu.VMEM((_CHUNK, _DPAIRS), jnp.int32),
        pltpu.VMEM((_CHUNK, _DPAIRS), jnp.int32),
        pltpu.VMEM((_LANES,), jnp.float32),
        pltpu.VMEM_SHARED((N_NODES, _DPAIRS), jnp.int32),
        pltpu.SemaphoreType.DMA,
        pltpu.SemaphoreType.DMA,
        pltpu.SemaphoreType.DMA,
        pltpu.SemaphoreType.DMA,
    ],
)
def _sc_loss(h_hbm, src_hbm, dst_hbm, lab_hbm, out_hbm,
             sidx_v, didx_v, lab_v, rows_sa, rows_da, rows_sb, rows_db,
             out_v, h_spm, sem_sa, sem_da, sem_sb, sem_db):
    wid = lax.axis_index("s") * _NC + lax.axis_index("c")
    lane_iota = lax.iota(jnp.int32, _LANES)

    @pl.when(lax.axis_index("s") == 0)
    def _():
        pltpu.sync_copy(h_hbm, h_spm)

    pltpu.sync_copy(src_hbm.at[wid], sidx_v)
    pltpu.sync_copy(dst_hbm.at[wid], didx_v)
    pltpu.sync_copy(lab_hbm.at[wid], lab_v)
    plsc.subcore_barrier()

    def issue(ci, rows_s, rows_d, sem_s, sem_d):
        pltpu.async_copy(h_spm.at[sidx_v.at[ci]], rows_s, sem_s)
        pltpu.async_copy(h_spm.at[didx_v.at[ci]], rows_d, sem_d)

    def wait(ci, rows_s, rows_d, sem_s, sem_d):
        pltpu.make_async_copy(h_spm.at[sidx_v.at[ci]], rows_s, sem_s).wait()
        pltpu.make_async_copy(h_spm.at[didx_v.at[ci]], rows_d, sem_d).wait()

    def compute_chunk(ci, rows_s, rows_d, loss_acc):
        def group_body(g, acc_in):
            row_ids = g * _LANES + lane_iota

            def dim_body(jo, carry):
                sq0, sq1, col = carry
                for _ in range(_UNROLL):
                    s2 = plsc.load_gather(rows_s, [row_ids, col])
                    d2 = plsc.load_gather(rows_d, [row_ids, col])
                    dd = (plsc.bitcast(s2, jnp.bfloat16)
                          - plsc.bitcast(d2, jnp.bfloat16))
                    dd2 = dd * dd
                    e0, e1 = plsc.unpack(dd2, format=plsc.PackFormat.INTERLEAVED)
                    sq0 = sq0 + e0
                    sq1 = sq1 + e1
                    col = (col + 1) & (_DPAIRS - 1)
                return sq0, sq1, col

            sq0, sq1, _ = lax.fori_loop(
                0, _DPAIRS // _UNROLL, dim_body,
                (jnp.zeros((_LANES,), jnp.float32),
                 jnp.zeros((_LANES,), jnp.float32),
                 lane_iota))
            predicts = jnp.exp((sq0 + sq1) * (-1.0 / DIM))
            lbl = lab_v[pl.ds(ci * _CHUNK + g * _LANES, _LANES)]
            err = lbl - predicts
            return acc_in + 0.5 * err * err

        return lax.fori_loop(0, _GROUPS, group_body, loss_acc)

    issue(0, rows_sa, rows_da, sem_sa, sem_da)

    def pair_body(p, loss_acc):
        ci_a = 2 * p
        issue(ci_a + 1, rows_sb, rows_db, sem_sb, sem_db)
        wait(ci_a, rows_sa, rows_da, sem_sa, sem_da)
        loss_acc = compute_chunk(ci_a, rows_sa, rows_da, loss_acc)
        issue(ci_a + 2, rows_sa, rows_da, sem_sa, sem_da)
        wait(ci_a + 1, rows_sb, rows_db, sem_sb, sem_db)
        return compute_chunk(ci_a + 1, rows_sb, rows_db, loss_acc)

    loss = lax.fori_loop(0, _NCHUNKS // 2, pair_body,
                         jnp.zeros((_LANES,), jnp.float32))
    wait(_NCHUNKS - 1, rows_sa, rows_da, sem_sa, sem_da)
    loss = compute_chunk(_NCHUNKS - 1, rows_sa, rows_da, loss)
    out_v[...] = loss
    pltpu.sync_copy(out_v, out_hbm.at[wid])


def kernel(edges, labels, embedding_state, W, b):
    pad = _EPW_PAD - _EPW
    src = jnp.pad(edges[:, 0].reshape(_NW, _EPW), ((0, 0), (0, pad)))
    dst = jnp.pad(edges[:, 1].reshape(_NW, _EPW), ((0, 0), (0, pad)))
    lab = jnp.pad(labels.reshape(_NW, _EPW), ((0, 0), (0, pad)),
                  constant_values=1.0)
    src = src.reshape(_NW, _NCHUNKS, _CHUNK)
    dst = dst.reshape(_NW, _NCHUNKS, _CHUNK)
    h16 = _compute_h(embedding_state, W[0], b[0].reshape(1, DIM))
    h_i32 = lax.bitcast_convert_type(
        h16.reshape(N_NODES, _DPAIRS, 2), jnp.int32)
    partials = _sc_loss(h_i32, src, dst, lab)
    return jnp.sum(partials)

# --- scband reference (transcript-rebuilt; emitter-appended) ---
"""Pipeline reference for scband-mih-gnnembedding4-79216376807934 (READ-ONLY COPY).

The authoritative reference and input builder live on the scoring server;
editing this copy changes nothing except your own understanding.
"""

import jax, jax.numpy as jnp
import numpy as np
import math

N = 10000
D = 128
E = 320000
LAYERS = 1


def setup_inputs(seed: int = 0) -> dict:
    key = jax.random.key(seed)
    k1, k2, k3, k4 = jax.random.split(key, 4)
    edges = jax.random.randint(k1, (E, 2), 0, N, dtype=jnp.int32)
    labels = jnp.zeros((E,), dtype=jnp.float32)
    # learned parameters sized per init_kwargs
    embedding_state = jax.random.normal(k2, (N, D), dtype=jnp.float32)
    bound = 1.0 / math.sqrt(D)
    W = jax.random.uniform(k3, (LAYERS, D, D), minval=-bound, maxval=bound, dtype=jnp.float32)
    b = jax.random.uniform(k4, (LAYERS, D), minval=-bound, maxval=bound, dtype=jnp.float32)
    return {"edges": edges, "labels": labels, "embedding_state": embedding_state, "W": W, "b": b}


def reference(edges, labels, embedding_state, W, b):
    # Faithful translation of MihGNNEmbedding4.forward for the label==0 branch
    # (labels are all zero in setup_inputs, so the per-edge Python branch in the
    # torch code always takes the direct embedding-lookup path, vectorized here).
    src = edges[:, 0]
    dst = edges[:, 1]
    emb_src = jnp.take(embedding_state, src, axis=0)  # gather [E, D]
    emb_dst = jnp.take(embedding_state, dst, axis=0)  # gather [E, D]
    src_layers = []
    dst_layers = []
    # NOTE: torch applies each Linear to the ORIGINAL gathered embeddings (not chained)
    for l in range(W.shape[0]):
        s = jax.nn.relu(emb_src @ W[l].T + b[l])
        t = jax.nn.relu(emb_dst @ W[l].T + b[l])
        src_layers.append(s)
        dst_layers.append(t)
    es = jnp.sum(jnp.stack(src_layers, axis=0), axis=0)
    ed = jnp.sum(jnp.stack(dst_layers, axis=0), axis=0)
    diff = jnp.sum((es - ed) ** 2, axis=1) / D
    predicts = jnp.float32(math.e) ** (-diff)
    loss = jnp.sum(0.5 * (labels - predicts) ** 2)
    return loss

if __name__ == "__main__":
    import jax
    _d = setup_inputs()
    print(jax.jit(kernel)(*tuple(_d.values())))

</pallas_src>

<mosaic_0001>
#map = affine_map<(d0, d1) -> (0, 0)>
#map1 = affine_map<(d0, d1) -> (0, 0, 0)>
module attributes {stable_mosaic.version = 14 : i64} {
  func.func @_sc_loss(%arg0: i32, %arg1: i32, %arg2: memref<10000x64xi32, #tpu.memory_space<hbm>>, %arg3: memref<32x125x80xi32, #tpu.memory_space<hbm>>, %arg4: memref<32x125x80xi32, #tpu.memory_space<hbm>>, %arg5: memref<32x10000xf32, #tpu.memory_space<hbm>>, %arg6: memref<32x16xf32, #tpu.memory_space<hbm>>, %arg7: memref<125x80xi32, #tpu.memory_space<vmem>>, %arg8: memref<125x80xi32, #tpu.memory_space<vmem>>, %arg9: memref<10000xf32, #tpu.memory_space<vmem>>, %arg10: memref<80x64xi32, #tpu.memory_space<vmem>>, %arg11: memref<80x64xi32, #tpu.memory_space<vmem>>, %arg12: memref<80x64xi32, #tpu.memory_space<vmem>>, %arg13: memref<80x64xi32, #tpu.memory_space<vmem>>, %arg14: memref<16xf32, #tpu.memory_space<vmem>>, %arg15: memref<10000x64xi32, #tpu.memory_space<vmem_shared>>, %arg16: memref<!tpu.dma_semaphore, #tpu.memory_space<semaphore_mem>>, %arg17: memref<!tpu.dma_semaphore, #tpu.memory_space<semaphore_mem>>, %arg18: memref<!tpu.dma_semaphore, #tpu.memory_space<semaphore_mem>>, %arg19: memref<!tpu.dma_semaphore, #tpu.memory_space<semaphore_mem>>) attributes {dimension_semantics = [#tpu.dimension_semantics<core_parallel>, #tpu.dimension_semantics<subcore_parallel>], iteration_bounds = array<i64: 2, 16>, scalar_prefetch = 0 : i64, scratch_operands = 13 : i64, tpu.core_type = #tpu.core_type<sc_vector_subcore>, window_params = [{transform_indices = #map}, {transform_indices = #map1}, {transform_indices = #map1}, {transform_indices = #map}, {transform_indices = #map}]} {
    %mul3A = arith.constant 2 : i32
    %mul3A_0 = arith.muli %arg1, %mul3A : i32
    %add3A = arith.addi %mul3A_0, %arg0 : i32
    %iota3A = tpu.iota {dimensions = array<i32: 0>} : vector<16xi32>
    %eq3A = arith.constant 0 : i32
    %eq3A_1 = arith.cmpi eq, %arg1, %eq3A : i32
    %convert_element_type3A = arith.extui %eq3A_1 : i1 to i32
    %cond3A = arith.constant 0 : i32
    %cond3A_2 = arith.cmpi ne, %convert_element_type3A, %cond3A : i32
    scf.if %cond3A_2 {
      "tpu.region"() ({
        %run_scoped3A = tpu.sem_alloc : memref<!tpu.dma_semaphore, #tpu.memory_space<semaphore_mem>>
        tpu.enqueue_dma source(%arg2 : memref<10000x64xi32, #tpu.memory_space<hbm>>) target(%arg15 : memref<10000x64xi32, #tpu.memory_space<vmem_shared>>) target_semaphore(%run_scoped3A : memref<!tpu.dma_semaphore, #tpu.memory_space<semaphore_mem>>)
        tpu.wait_dma2 semaphore(%run_scoped3A : memref<!tpu.dma_semaphore, #tpu.memory_space<semaphore_mem>>) src(%arg2 : memref<10000x64xi32, #tpu.memory_space<hbm>>) dst(%arg15 : memref<10000x64xi32, #tpu.memory_space<vmem_shared>>)
        tpu.yield
      }) : () -> ()
    } else {
    }
    "tpu.region"() ({
      %run_scoped3A = tpu.sem_alloc : memref<!tpu.dma_semaphore, #tpu.memory_space<semaphore_mem>>
      %dma_start3A_42 = arith.constant 0 : i32
      %dma_start3A_43 = arith.constant 0 : i32
      %dma_start3A_44 = tpu.memref_slice %arg3[%add3A, %dma_start3A_42, %dma_start3A_43] : memref<32x125x80xi32, #tpu.memory_space<hbm>> -> memref<1x125x80xi32, #tpu.memory_space<hbm>>
      %dma_start3A_45 = tpu.memref_squeeze %dma_start3A_44 : memref<1x125x80xi32, #tpu.memory_space<hbm>> -> memref<125x80xi32, #tpu.memory_space<hbm>>
      %dma_start3A_46 = arith.constant 0 : i32
      %dma_start3A_47 = arith.constant 0 : i32
      %dma_start3A_48 = tpu.memref_slice %arg3[%add3A, %dma_start3A_46, %dma_start3A_47] : memref<32x125x80xi32, #tpu.memory_space<hbm>> -> memref<1x125x80xi32, #tpu.memory_space<hbm>>
      %dma_start3A_49 = tpu.memref_squeeze %dma_start3A_48 : memref<1x125x80xi32, #tpu.memory_space<hbm>> -> memref<125x80xi32, #tpu.memory_space<hbm>>
      tpu.enqueue_dma source(%dma_start3A_49 : memref<125x80xi32, #tpu.memory_space<hbm>>) target(%arg7 : memref<125x80xi32, #tpu.memory_space<vmem>>) target_semaphore(%run_scoped3A : memref<!tpu.dma_semaphore, #tpu.memory_space<semaphore_mem>>)
      %dma_wait3A_50 = arith.constant 0 : i32
      %dma_wait3A_51 = arith.constant 0 : i32
      %dma_wait3A_52 = tpu.memref_slice %arg3[%add3A, %dma_wait3A_50, %dma_wait3A_51] : memref<32x125x80xi32, #tpu.memory_space<hbm>> -> memref<1x125x80xi32, #tpu.memory_space<hbm>>
      %dma_wait3A_53 = tpu.memref_squeeze %dma_wait3A_52 : memref<1x125x80xi32, #tpu.memory_space<hbm>> -> memref<125x80xi32, #tpu.memory_space<hbm>>
      %dma_wait3A_54 = arith.constant 0 : i32
      %dma_wait3A_55 = arith.constant 0 : i32
      %dma_wait3A_56 = tpu.memref_slice %arg3[%add3A, %dma_wait3A_54, %dma_wait3A_55] : memref<32x125x80xi32, #tpu.memory_space<hbm>> -> memref<1x125x80xi32, #tpu.memory_space<hbm>>
      %dma_wait3A_57 = tpu.memref_squeeze %dma_wait3A_56 : memref<1x125x80xi32, #tpu.memory_space<hbm>> -> memref<125x80xi32, #tpu.memory_space<hbm>>
      tpu.wait_dma2 semaphore(%run_scoped3A : memref<!tpu.dma_semaphore, #tpu.memory_space<semaphore_mem>>) src(%dma_wait3A_57 : memref<125x80xi32, #tpu.memory_space<hbm>>) dst(%arg7 : memref<125x80xi32, #tpu.memory_space<vmem>>)
      tpu.yield
    }) : () -> ()
    "tpu.region"() ({
      %run_scoped3A = tpu.sem_alloc : memref<!tpu.dma_semaphore, #tpu.memory_space<semaphore_mem>>
      %dma_start3A_42 = arith.constant 0 : i32
      %dma_start3A_43 = arith.constant 0 : i32
      %dma_start3A_44 = tpu.memref_slice %arg4[%add3A, %dma_start3A_42, %dma_start3A_43] : memref<32x125x80xi32, #tpu.memory_space<hbm>> -> memref<1x125x80xi32, #tpu.memory_space<hbm>>
      %dma_start3A_45 = tpu.memref_squeeze %dma_start3A_44 : memref<1x125x80xi32, #tpu.memory_space<hbm>> -> memref<125x80xi32, #tpu.memory_space<hbm>>
      %dma_start3A_46 = arith.constant 0 : i32
      %dma_start3A_47 = arith.constant 0 : i32
      %dma_start3A_48 = tpu.memref_slice %arg4[%add3A, %dma_start3A_46, %dma_start3A_47] : memref<32x125x80xi32, #tpu.memory_space<hbm>> -> memref<1x125x80xi32, #tpu.memory_space<hbm>>
      %dma_start3A_49 = tpu.memref_squeeze %dma_start3A_48 : memref<1x125x80xi32, #tpu.memory_space<hbm>> -> memref<125x80xi32, #tpu.memory_space<hbm>>
      tpu.enqueue_dma source(%dma_start3A_49 : memref<125x80xi32, #tpu.memory_space<hbm>>) target(%arg8 : memref<125x80xi32, #tpu.memory_space<vmem>>) target_semaphore(%run_scoped3A : memref<!tpu.dma_semaphore, #tpu.memory_space<semaphore_mem>>)
      %dma_wait3A_50 = arith.constant 0 : i32
      %dma_wait3A_51 = arith.constant 0 : i32
      %dma_wait3A_52 = tpu.memref_slice %arg4[%add3A, %dma_wait3A_50, %dma_wait3A_51] : memref<32x125x80xi32, #tpu.memory_space<hbm>> -> memref<1x125x80xi32, #tpu.memory_space<hbm>>
      %dma_wait3A_53 = tpu.memref_squeeze %dma_wait3A_52 : memref<1x125x80xi32, #tpu.memory_space<hbm>> -> memref<125x80xi32, #tpu.memory_space<hbm>>
      %dma_wait3A_54 = arith.constant 0 : i32
      %dma_wait3A_55 = arith.constant 0 : i32
      %dma_wait3A_56 = tpu.memref_slice %arg4[%add3A, %dma_wait3A_54, %dma_wait3A_55] : memref<32x125x80xi32, #tpu.memory_space<hbm>> -> memref<1x125x80xi32, #tpu.memory_space<hbm>>
      %dma_wait3A_57 = tpu.memref_squeeze %dma_wait3A_56 : memref<1x125x80xi32, #tpu.memory_space<hbm>> -> memref<125x80xi32, #tpu.memory_space<hbm>>
      tpu.wait_dma2 semaphore(%run_scoped3A : memref<!tpu.dma_semaphore, #tpu.memory_space<semaphore_mem>>) src(%dma_wait3A_57 : memref<125x80xi32, #tpu.memory_space<hbm>>) dst(%arg8 : memref<125x80xi32, #tpu.memory_space<vmem>>)
      tpu.yield
    }) : () -> ()
    "tpu.region"() ({
      %run_scoped3A = tpu.sem_alloc : memref<!tpu.dma_semaphore, #tpu.memory_space<semaphore_mem>>
      %dma_start3A_42 = arith.constant 0 : i32
      %dma_start3A_43 = tpu.memref_slice %arg5[%add3A, %dma_start3A_42] : memref<32x10000xf32, #tpu.memory_space<hbm>> -> memref<1x10000xf32, #tpu.memory_space<hbm>>
      %dma_start3A_44 = tpu.memref_squeeze %dma_start3A_43 : memref<1x10000xf32, #tpu.memory_space<hbm>> -> memref<10000xf32, #tpu.memory_space<hbm>>
      %dma_start3A_45 = arith.constant 0 : i32
      %dma_start3A_46 = tpu.memref_slice %arg5[%add3A, %dma_start3A_45] : memref<32x10000xf32, #tpu.memory_space<hbm>> -> memref<1x10000xf32, #tpu.memory_space<hbm>>
      %dma_start3A_47 = tpu.memref_squeeze %dma_start3A_46 : memref<1x10000xf32, #tpu.memory_space<hbm>> -> memref<10000xf32, #tpu.memory_space<hbm>>
      tpu.enqueue_dma source(%dma_start3A_47 : memref<10000xf32, #tpu.memory_space<hbm>>) target(%arg9 : memref<10000xf32, #tpu.memory_space<vmem>>) target_semaphore(%run_scoped3A : memref<!tpu.dma_semaphore, #tpu.memory_space<semaphore_mem>>)
      %dma_wait3A_48 = arith.constant 0 : i32
      %dma_wait3A_49 = tpu.memref_slice %arg5[%add3A, %dma_wait3A_48] : memref<32x10000xf32, #tpu.memory_space<hbm>> -> memref<1x10000xf32, #tpu.memory_space<hbm>>
      %dma_wait3A_50 = tpu.memref_squeeze %dma_wait3A_49 : memref<1x10000xf32, #tpu.memory_space<hbm>> -> memref<10000xf32, #tpu.memory_space<hbm>>
      %dma_wait3A_51 = arith.constant 0 : i32
      %dma_wait3A_52 = tpu.memref_slice %arg5[%add3A, %dma_wait3A_51] : memref<32x10000xf32, #tpu.memory_space<hbm>> -> memref<1x10000xf32, #tpu.memory_space<hbm>>
      %dma_wait3A_53 = tpu.memref_squeeze %dma_wait3A_52 : memref<1x10000xf32, #tpu.memory_space<hbm>> -> memref<10000xf32, #tpu.memory_space<hbm>>
      tpu.wait_dma2 semaphore(%run_scoped3A : memref<!tpu.dma_semaphore, #tpu.memory_space<semaphore_mem>>) src(%dma_wait3A_53 : memref<10000xf32, #tpu.memory_space<hbm>>) dst(%arg9 : memref<10000xf32, #tpu.memory_space<vmem>>)
      tpu.yield
    }) : () -> ()
    %barrier3A = arith.constant 0 : index
    tpu.barrier barrier_id(%barrier3A)
    %dma_start3A = arith.constant 0 : i32
    %dma_start3A_3 = arith.constant 0 : i32
    %dma_start3A_4 = tpu.memref_slice %arg7[%dma_start3A, %dma_start3A_3] : memref<125x80xi32, #tpu.memory_space<vmem>> -> memref<1x80xi32, #tpu.memory_space<vmem>>
    %dma_start3A_5 = tpu.memref_squeeze %dma_start3A_4 : memref<1x80xi32, #tpu.memory_space<vmem>> -> memref<80xi32, #tpu.memory_space<vmem>>
    %dma_start3A_6 = arith.constant 0 : i32
    %dma_start3A_7 = arith.constant 0 : i32
    %dma_start3A_8 = tpu.memref_slice %arg15[%dma_start3A_6, %dma_start3A_7] : memref<10000x64xi32, #tpu.memory_space<vmem_shared>> -> memref<10000x64xi32, #tpu.memory_space<vmem_shared>>
    tpu.enqueue_indirect_dma source(%dma_start3A_8 : memref<10000x64xi32, #tpu.memory_space<vmem_shared>>) target(%arg10 : memref<80x64xi32, #tpu.memory_space<vmem>>) offsets(%dma_start3A_5 : memref<80xi32, #tpu.memory_space<vmem>>) semaphore(%arg16 : memref<!tpu.dma_semaphore, #tpu.memory_space<semaphore_mem>>)
    %dma_start3A_9 = arith.constant 0 : i32
    %dma_start3A_10 = arith.constant 0 : i32
    %dma_start3A_11 = tpu.memref_slice %arg8[%dma_start3A_9, %dma_start3A_10] : memref<125x80xi32, #tpu.memory_space<vmem>> -> memref<1x80xi32, #tpu.memory_space<vmem>>
    %dma_start3A_12 = tpu.memref_squeeze %dma_start3A_11 : memref<1x80xi32, #tpu.memory_space<vmem>> -> memref<80xi32, #tpu.memory_space<vmem>>
    %dma_start3A_13 = arith.constant 0 : i32
    %dma_start3A_14 = arith.constant 0 : i32
    %dma_start3A_15 = tpu.memref_slice %arg15[%dma_start3A_13, %dma_start3A_14] : memref<10000x64xi32, #tpu.memory_space<vmem_shared>> -> memref<10000x64xi32, #tpu.memory_space<vmem_shared>>
    tpu.enqueue_indirect_dma source(%dma_start3A_15 : memref<10000x64xi32, #tpu.memory_space<vmem_shared>>) target(%arg11 : memref<80x64xi32, #tpu.memory_space<vmem>>) offsets(%dma_start3A_12 : memref<80xi32, #tpu.memory_space<vmem>>) semaphore(%arg17 : memref<!tpu.dma_semaphore, #tpu.memory_space<semaphore_mem>>)
    %broadcast_in_dim3A = arith.constant 0.000000e+00 : f32
    %broadcast_in_dim3A_16 = vector.broadcast %broadcast_in_dim3A : f32 to vector<16xf32>
    %scan3A = arith.constant 0 : i32
    %scan3A_17 = arith.constant 62 : i32
    %scan3A_18 = arith.addi %scan3A, %scan3A_17 : i32
    %scan3A_19 = arith.constant 1 : i32
    %scan3A_20 = scf.for %scan3A_42 = %scan3A to %scan3A_18 step %scan3A_19 iter_args(%scan3A_43 = %broadcast_in_dim3A_16) -> (vector<16xf32>)  : i32 {
      %mul3A_44 = arith.constant 2 : i32
      %mul3A_45 = arith.muli %mul3A_44, %scan3A_42 : i32
      %add3A_46 = arith.constant 1 : i32
      %add3A_47 = arith.addi %mul3A_45, %add3A_46 : i32
      %dma_start3A_48 = arith.constant 0 : i32
      %dma_start3A_49 = tpu.memref_slice %arg7[%add3A_47, %dma_start3A_48] : memref<125x80xi32, #tpu.memory_space<vmem>> -> memref<1x80xi32, #tpu.memory_space<vmem>>
      %dma_start3A_50 = tpu.memref_squeeze %dma_start3A_49 : memref<1x80xi32, #tpu.memory_space<vmem>> -> memref<80xi32, #tpu.memory_space<vmem>>
      %dma_start3A_51 = arith.constant 0 : i32
      %dma_start3A_52 = arith.constant 0 : i32
      %dma_start3A_53 = tpu.memref_slice %arg15[%dma_start3A_51, %dma_start3A_52] : memref<10000x64xi32, #tpu.memory_space<vmem_shared>> -> memref<10000x64xi32, #tpu.memory_space<vmem_shared>>
      tpu.enqueue_indirect_dma source(%dma_start3A_53 : memref<10000x64xi32, #tpu.memory_space<vmem_shared>>) target(%arg12 : memref<80x64xi32, #tpu.memory_space<vmem>>) offsets(%dma_start3A_50 : memref<80xi32, #tpu.memory_space<vmem>>) semaphore(%arg18 : memref<!tpu.dma_semaphore, #tpu.memory_space<semaphore_mem>>)
      %dma_start3A_54 = arith.constant 0 : i32
      %dma_start3A_55 = tpu.memref_slice %arg8[%add3A_47, %dma_start3A_54] : memref<125x80xi32, #tpu.memory_space<vmem>> -> memref<1x80xi32, #tpu.memory_space<vmem>>
      %dma_start3A_56 = tpu.memref_squeeze %dma_start3A_55 : memref<1x80xi32, #tpu.memory_space<vmem>> -> memref<80xi32, #tpu.memory_space<vmem>>
      %dma_start3A_57 = arith.constant 0 : i32
      %dma_start3A_58 = arith.constant 0 : i32
      %dma_start3A_59 = tpu.memref_slice %arg15[%dma_start3A_57, %dma_start3A_58] : memref<10000x64xi32, #tpu.memory_space<vmem_shared>> -> memref<10000x64xi32, #tpu.memory_space<vmem_shared>>
      tpu.enqueue_indirect_dma source(%dma_start3A_59 : memref<10000x64xi32, #tpu.memory_space<vmem_shared>>) target(%arg13 : memref<80x64xi32, #tpu.memory_space<vmem>>) offsets(%dma_start3A_56 : memref<80xi32, #tpu.memory_space<vmem>>) semaphore(%arg19 : memref<!tpu.dma_semaphore, #tpu.memory_space<semaphore_mem>>)
      %dma_wait3A_60 = arith.constant 0 : i32
      %dma_wait3A_61 = tpu.memref_slice %arg7[%mul3A_45, %dma_wait3A_60] : memref<125x80xi32, #tpu.memory_space<vmem>> -> memref<1x80xi32, #tpu.memory_space<vmem>>
      %dma_wait3A_62 = tpu.memref_squeeze %dma_wait3A_61 : memref<1x80xi32, #tpu.memory_space<vmem>> -> memref<80xi32, #tpu.memory_space<vmem>>
      %dma_wait3A_63 = arith.constant 0 : i32
      %dma_wait3A_64 = arith.constant 0 : i32
      %dma_wait3A_65 = tpu.memref_slice %arg15[%dma_wait3A_63, %dma_wait3A_64] : memref<10000x64xi32, #tpu.memory_space<vmem_shared>> -> memref<10000x64xi32, #tpu.memory_space<vmem_shared>>
      tpu.wait_indirect_dma semaphore(%arg16 : memref<!tpu.dma_semaphore, #tpu.memory_space<semaphore_mem>>) src(%dma_wait3A_65 : memref<10000x64xi32, #tpu.memory_space<vmem_shared>>) dst(%arg10 : memref<80x64xi32, #tpu.memory_space<vmem>>)
      %dma_wait3A_66 = arith.constant 0 : i32
      %dma_wait3A_67 = tpu.memref_slice %arg8[%mul3A_45, %dma_wait3A_66] : memref<125x80xi32, #tpu.memory_space<vmem>> -> memref<1x80xi32, #tpu.memory_space<vmem>>
      %dma_wait3A_68 = tpu.memref_squeeze %dma_wait3A_67 : memref<1x80xi32, #tpu.memory_space<vmem>> -> memref<80xi32, #tpu.memory_space<vmem>>
      %dma_wait3A_69 = arith.constant 0 : i32
      %dma_wait3A_70 = arith.constant 0 : i32
      %dma_wait3A_71 = tpu.memref_slice %arg15[%dma_wait3A_69, %dma_wait3A_70] : memref<10000x64xi32, #tpu.memory_space<vmem_shared>> -> memref<10000x64xi32, #tpu.memory_space<vmem_shared>>
      tpu.wait_indirect_dma semaphore(%arg17 : memref<!tpu.dma_semaphore, #tpu.memory_space<semaphore_mem>>) src(%dma_wait3A_71 : memref<10000x64xi32, #tpu.memory_space<vmem_shared>>) dst(%arg11 : memref<80x64xi32, #tpu.memory_space<vmem>>)
      %scan3A_72 = arith.constant 0 : i32
      %scan3A_73 = arith.constant 5 : i32
      %scan3A_74 = arith.addi %scan3A_72, %scan3A_73 : i32
      %scan3A_75 = arith.constant 1 : i32
      %scan3A_76 = scf.for %scan3A_114 = %scan3A_72 to %scan3A_74 step %scan3A_75 iter_args(%scan3A_115 = %scan3A_43) -> (vector<16xf32>)  : i32 {
        %mul3A_116 = arith.constant 16 : i32
        %mul3A_117 = arith.muli %scan3A_114, %mul3A_116 : i32
        %add3A_118 = vector.broadcast %mul3A_117 : i32 to vector<16xi32>
        %add3A_119 = arith.addi %add3A_118, %iota3A : vector<16xi32>
        %broadcast_in_dim3A_120 = arith.constant 0.000000e+00 : f32
        %broadcast_in_dim3A_121 = vector.broadcast %broadcast_in_dim3A_120 : f32 to vector<16xf32>
        %broadcast_in_dim3A_122 = arith.constant 0.000000e+00 : f32
        %broadcast_in_dim3A_123 = vector.broadcast %broadcast_in_dim3A_122 : f32 to vector<16xf32>
        %scan3A_124 = arith.constant 0 : i32
        %scan3A_125 = arith.constant 4 : i32
        %scan3A_126 = arith.addi %scan3A_124, %scan3A_125 : i32
        %scan3A_127 = arith.constant 1 : i32
        %scan3A_128:3 = scf.for %scan3A_145 = %scan3A_124 to %scan3A_126 step %scan3A_127 iter_args(%scan3A_146 = %broadcast_in_dim3A_121, %scan3A_147 = %broadcast_in_dim3A_123, %scan3A_148 = %iota3A) -> (vector<16xf32>, vector<16xf32>, vector<16xi32>)  : i32 {
          %gather3A = tpu.vector_load_idx %arg10[%add3A_119, %scan3A_148] : memref<80x64xi32, #tpu.memory_space<vmem>>[vector<16xi32>, vector<16xi32>], vector<16xi32>,
          %gather3A_149 = tpu.vector_load_idx %arg11[%add3A_119, %scan3A_148] : memref<80x64xi32, #tpu.memory_space<vmem>>[vector<16xi32>, vector<16xi32>], vector<16xi32>,
          %bitcast3A = vector.bitcast %gather3A : vector<16xi32> to vector<32xbf16>
          %bitcast3A_150 = vector.bitcast %gather3A_149 : vector<16xi32> to vector<32xbf16>
          %sub3A_151 = arith.subf %bitcast3A, %bitcast3A_150 : vector<32xbf16>
          %mul3A_152 = arith.mulf %sub3A_151, %sub3A_151 : vector<32xbf16>
          %unpack3A = tpu.unpack_subelements %mul3A_152, 0 {pack_format = #tpu.pack_format<interleaved>} : vector<32xbf16> -> vector<16xf32>
          %unpack3A_153 = tpu.unpack_subelements %mul3A_152, 1 {pack_format = #tpu.pack_format<interleaved>} : vector<32xbf16> -> vector<16xf32>
          %add3A_154 = arith.addf %scan3A_146, %unpack3A : vector<16xf32>
          %add3A_155 = arith.addf %scan3A_147, %unpack3A_153 : vector<16xf32>
          %add3A_156 = arith.constant 1 : i32
          %add3A_157 = vector.broadcast %add3A_156 : i32 to vector<16xi32>
          %add3A_158 = arith.addi %scan3A_148, %add3A_157 : vector<16xi32>
          %and3A = arith.constant 63 : i32
          %and3A_159 = vector.broadcast %and3A : i32 to vector<16xi32>
          %and3A_160 = arith.andi %add3A_158, %and3A_159 : vector<16xi32>
          %gather3A_161 = tpu.vector_load_idx %arg10[%add3A_119, %and3A_160] : memref<80x64xi32, #tpu.memory_space<vmem>>[vector<16xi32>, vector<16xi32>], vector<16xi32>,
          %gather3A_162 = tpu.vector_load_idx %arg11[%add3A_119, %and3A_160] : memref<80x64xi32, #tpu.memory_space<vmem>>[vector<16xi32>, vector<16xi32>], vector<16xi32>,
          %bitcast3A_163 = vector.bitcast %gather3A_161 : vector<16xi32> to vector<32xbf16>
          %bitcast3A_164 = vector.bitcast %gather3A_162 : vector<16xi32> to vector<32xbf16>
          %sub3A_165 = arith.subf %bitcast3A_163, %bitcast3A_164 : vector<32xbf16>
          %mul3A_166 = arith.mulf %sub3A_165, %sub3A_165 : vector<32xbf16>
          %unpack3A_167 = tpu.unpack_subelements %mul3A_166, 0 {pack_format = #tpu.pack_format<interleaved>} : vector<32xbf16> -> vector<16xf32>
          %unpack3A_168 = tpu.unpack_subelements %mul3A_166, 1 {pack_format = #tpu.pack_format<interleaved>} : vector<32xbf16> -> vector<16xf32>
          %add3A_169 = arith.addf %add3A_154, %unpack3A_167 : vector<16xf32>
          %add3A_170 = arith.addf %add3A_155, %unpack3A_168 : vector<16xf32>
          %add3A_171 = arith.constant 1 : i32
          %add3A_172 = vector.broadcast %add3A_171 : i32 to vector<16xi32>
          %add3A_173 = arith.addi %and3A_160, %add3A_172 : vector<16xi32>
          %and3A_174 = arith.constant 63 : i32
          %and3A_175 = vector.broadcast %and3A_174 : i32 to vector<16xi32>
          %and3A_176 = arith.andi %add3A_173, %and3A_175 : vector<16xi32>
          %gather3A_177 = tpu.vector_load_idx %arg10[%add3A_119, %and3A_176] : memref<80x64xi32, #tpu.memory_space<vmem>>[vector<16xi32>, vector<16xi32>], vector<16xi32>,
          %gather3A_178 = tpu.vector_load_idx %arg11[%add3A_119, %and3A_176] : memref<80x64xi32, #tpu.memory_space<vmem>>[vector<16xi32>, vector<16xi32>], vector<16xi32>,
          %bitcast3A_179 = vector.bitcast %gather3A_177 : vector<16xi32> to vector<32xbf16>
          %bitcast3A_180 = vector.bitcast %gather3A_178 : vector<16xi32> to vector<32xbf16>
          %sub3A_181 = arith.subf %bitcast3A_179, %bitcast3A_180 : vector<32xbf16>
          %mul3A_182 = arith.mulf %sub3A_181, %sub3A_181 : vector<32xbf16>
          %unpack3A_183 = tpu.unpack_subelements %mul3A_182, 0 {pack_format = #tpu.pack_format<interleaved>} : vector<32xbf16> -> vector<16xf32>
          %unpack3A_184 = tpu.unpack_subelements %mul3A_182, 1 {pack_format = #tpu.pack_format<interleaved>} : vector<32xbf16> -> vector<16xf32>
          %add3A_185 = arith.addf %add3A_169, %unpack3A_183 : vector<16xf32>
          %add3A_186 = arith.addf %add3A_170, %unpack3A_184 : vector<16xf32>
          %add3A_187 = arith.constant 1 : i32
          %add3A_188 = vector.broadcast %add3A_187 : i32 to vector<16xi32>
          %add3A_189 = arith.addi %and3A_176, %add3A_188 : vector<16xi32>
          %and3A_190 = arith.constant 63 : i32
          %and3A_191 = vector.broadcast %and3A_190 : i32 to vector<16xi32>
          %and3A_192 = arith.andi %add3A_189, %and3A_191 : vector<16xi32>
          %gather3A_193 = tpu.vector_load_idx %arg10[%add3A_119, %and3A_192] : memref<80x64xi32, #tpu.memory_space<vmem>>[vector<16xi32>, vector<16xi32>], vector<16xi32>,
          %gather3A_194 = tpu.vector_load_idx %arg11[%add3A_119, %and3A_192] : memref<80x64xi32, #tpu.memory_space<vmem>>[vector<16xi32>, vector<16xi32>], vector<16xi32>,
          %bitcast3A_195 = vector.bitcast %gather3A_193 : vector<16xi32> to vector<32xbf16>
          %bitcast3A_196 = vector.bitcast %gather3A_194 : vector<16xi32> to vector<32xbf16>
          %sub3A_197 = arith.subf %bitcast3A_195, %bitcast3A_196 : vector<32xbf16>
          %mul3A_198 = arith.mulf %sub3A_197, %sub3A_197 : vector<32xbf16>
          %unpack3A_199 = tpu.unpack_subelements %mul3A_198, 0 {pack_format = #tpu.pack_format<interleaved>} : vector<32xbf16> -> vector<16xf32>
          %unpack3A_200 = tpu.unpack_subelements %mul3A_198, 1 {pack_format = #tpu.pack_format<interleaved>} : vector<32xbf16> -> vector<16xf32>
          %add3A_201 = arith.addf %add3A_185, %unpack3A_199 : vector<16xf32>
          %add3A_202 = arith.addf %add3A_186, %unpack3A_200 : vector<16xf32>
          %add3A_203 = arith.constant 1 : i32
          %add3A_204 = vector.broadcast %add3A_203 : i32 to vector<16xi32>
          %add3A_205 = arith.addi %and3A_192, %add3A_204 : vector<16xi32>
          %and3A_206 = arith.constant 63 : i32
          %and3A_207 = vector.broadcast %and3A_206 : i32 to vector<16xi32>
          %and3A_208 = arith.andi %add3A_205, %and3A_207 : vector<16xi32>
          %gather3A_209 = tpu.vector_load_idx %arg10[%add3A_119, %and3A_208] : memref<80x64xi32, #tpu.memory_space<vmem>>[vector<16xi32>, vector<16xi32>], vector<16xi32>,
          %gather3A_210 = tpu.vector_load_idx %arg11[%add3A_119, %and3A_208] : memref<80x64xi32, #tpu.memory_space<vmem>>[vector<16xi32>, vector<16xi32>], vector<16xi32>,
          %bitcast3A_211 = vector.bitcast %gather3A_209 : vector<16xi32> to vector<32xbf16>
          %bitcast3A_212 = vector.bitcast %gather3A_210 : vector<16xi32> to vector<32xbf16>
          %sub3A_213 = arith.subf %bitcast3A_211, %bitcast3A_212 : vector<32xbf16>
          %mul3A_214 = arith.mulf %sub3A_213, %sub3A_213 : vector<32xbf16>
          %unpack3A_215 = tpu.unpack_subelements %mul3A_214, 0 {pack_format = #tpu.pack_format<interleaved>} : vector<32xbf16> -> vector<16xf32>
          %unpack3A_216 = tpu.unpack_subelements %mul3A_214, 1 {pack_format = #tpu.pack_format<interleaved>} : vector<32xbf16> -> vector<16xf32>
          %add3A_217 = arith.addf %add3A_201, %unpack3A_215 : vector<16xf32>
          %add3A_218 = arith.addf %add3A_202, %unpack3A_216 : vector<16xf32>
          %add3A_219 = arith.constant 1 : i32
          %add3A_220 = vector.broadcast %add3A_219 : i32 to vector<16xi32>
          %add3A_221 = arith.addi %and3A_208, %add3A_220 : vector<16xi32>
          %and3A_222 = arith.constant 63 : i32
          %and3A_223 = vector.broadcast %and3A_222 : i32 to vector<16xi32>
          %and3A_224 = arith.andi %add3A_221, %and3A_223 : vector<16xi32>
          %gather3A_225 = tpu.vector_load_idx %arg10[%add3A_119, %and3A_224] : memref<80x64xi32, #tpu.memory_space<vmem>>[vector<16xi32>, vector<16xi32>], vector<16xi32>,
          %gather3A_226 = tpu.vector_load_idx %arg11[%add3A_119, %and3A_224] : memref<80x64xi32, #tpu.memory_space<vmem>>[vector<16xi32>, vector<16xi32>], vector<16xi32>,
          %bitcast3A_227 = vector.bitcast %gather3A_225 : vector<16xi32> to vector<32xbf16>
          %bitcast3A_228 = vector.bitcast %gather3A_226 : vector<16xi32> to vector<32xbf16>
          %sub3A_229 = arith.subf %bitcast3A_227, %bitcast3A_228 : vector<32xbf16>
          %mul3A_230 = arith.mulf %sub3A_229, %sub3A_229 : vector<32xbf16>
          %unpack3A_231 = tpu.unpack_subelements %mul3A_230, 0 {pack_format = #tpu.pack_format<interleaved>} : vector<32xbf16> -> vector<16xf32>
          %unpack3A_232 = tpu.unpack_subelements %mul3A_230, 1 {pack_format = #tpu.pack_format<interleaved>} : vector<32xbf16> -> vector<16xf32>
          %add3A_233 = arith.addf %add3A_217, %unpack3A_231 : vector<16xf32>
          %add3A_234 = arith.addf %add3A_218, %unpack3A_232 : vector<16xf32>
          %add3A_235 = arith.constant 1 : i32
          %add3A_236 = vector.broadcast %add3A_235 : i32 to vector<16xi32>
          %add3A_237 = arith.addi %and3A_224, %add3A_236 : vector<16xi32>
          %and3A_238 = arith.constant 63 : i32
          %and3A_239 = vector.broadcast %and3A_238 : i32 to vector<16xi32>
          %and3A_240 = arith.andi %add3A_237, %and3A_239 : vector<16xi32>
          %gather3A_241 = tpu.vector_load_idx %arg10[%add3A_119, %and3A_240] : memref<80x64xi32, #tpu.memory_space<vmem>>[vector<16xi32>, vector<16xi32>], vector<16xi32>,
          %gather3A_242 = tpu.vector_load_idx %arg11[%add3A_119, %and3A_240] : memref<80x64xi32, #tpu.memory_space<vmem>>[vector<16xi32>, vector<16xi32>], vector<16xi32>,
          %bitcast3A_243 = vector.bitcast %gather3A_241 : vector<16xi32> to vector<32xbf16>
          %bitcast3A_244 = vector.bitcast %gather3A_242 : vector<16xi32> to vector<32xbf16>
          %sub3A_245 = arith.subf %bitcast3A_243, %bitcast3A_244 : vector<32xbf16>
          %mul3A_246 = arith.mulf %sub3A_245, %sub3A_245 : vector<32xbf16>
          %unpack3A_247 = tpu.unpack_subelements %mul3A_246, 0 {pack_format = #tpu.pack_format<interleaved>} : vector<32xbf16> -> vector<16xf32>
          %unpack3A_248 = tpu.unpack_subelements %mul3A_246, 1 {pack_format = #tpu.pack_format<interleaved>} : vector<32xbf16> -> vector<16xf32>
          %add3A_249 = arith.addf %add3A_233, %unpack3A_247 : vector<16xf32>
          %add3A_250 = arith.addf %add3A_234, %unpack3A_248 : vector<16xf32>
          %add3A_251 = arith.constant 1 : i32
          %add3A_252 = vector.broadcast %add3A_251 : i32 to vector<16xi32>
          %add3A_253 = arith.addi %and3A_240, %add3A_252 : vector<16xi32>
          %and3A_254 = arith.constant 63 : i32
          %and3A_255 = vector.broadcast %and3A_254 : i32 to vector<16xi32>
          %and3A_256 = arith.andi %add3A_253, %and3A_255 : vector<16xi32>
          %gather3A_257 = tpu.vector_load_idx %arg10[%add3A_119, %and3A_256] : memref<80x64xi32, #tpu.memory_space<vmem>>[vector<16xi32>, vector<16xi32>], vector<16xi32>,
          %gather3A_258 = tpu.vector_load_idx %arg11[%add3A_119, %and3A_256] : memref<80x64xi32, #tpu.memory_space<vmem>>[vector<16xi32>, vector<16xi32>], vector<16xi32>,
          %bitcast3A_259 = vector.bitcast %gather3A_257 : vector<16xi32> to vector<32xbf16>
          %bitcast3A_260 = vector.bitcast %gather3A_258 : vector<16xi32> to vector<32xbf16>
          %sub3A_261 = arith.subf %bitcast3A_259, %bitcast3A_260 : vector<32xbf16>
          %mul3A_262 = arith.mulf %sub3A_261, %sub3A_261 : vector<32xbf16>
          %unpack3A_263 = tpu.unpack_subelements %mul3A_262, 0 {pack_format = #tpu.pack_format<interleaved>} : vector<32xbf16> -> vector<16xf32>
          %unpack3A_264 = tpu.unpack_subelements %mul3A_262, 1 {pack_format = #tpu.pack_format<interleaved>} : vector<32xbf16> -> vector<16xf32>
          %add3A_265 = arith.addf %add3A_249, %unpack3A_263 : vector<16xf32>
          %add3A_266 = arith.addf %add3A_250, %unpack3A_264 : vector<16xf32>
          %add3A_267 = arith.constant 1 : i32
          %add3A_268 = vector.broadcast %add3A_267 : i32 to vector<16xi32>
          %add3A_269 = arith.addi %and3A_256, %add3A_268 : vector<16xi32>
          %and3A_270 = arith.constant 63 : i32
          %and3A_271 = vector.broadcast %and3A_270 : i32 to vector<16xi32>
          %and3A_272 = arith.andi %add3A_269, %and3A_271 : vector<16xi32>
          %gather3A_273 = tpu.vector_load_idx %arg10[%add3A_119, %and3A_272] : memref<80x64xi32, #tpu.memory_space<vmem>>[vector<16xi32>, vector<16xi32>], vector<16xi32>,
          %gather3A_274 = tpu.vector_load_idx %arg11[%add3A_119, %and3A_272] : memref<80x64xi32, #tpu.memory_space<vmem>>[vector<16xi32>, vector<16xi32>], vector<16xi32>,
          %bitcast3A_275 = vector.bitcast %gather3A_273 : vector<16xi32> to vector<32xbf16>
          %bitcast3A_276 = vector.bitcast %gather3A_274 : vector<16xi32> to vector<32xbf16>
          %sub3A_277 = arith.subf %bitcast3A_275, %bitcast3A_276 : vector<32xbf16>
          %mul3A_278 = arith.mulf %sub3A_277, %sub3A_277 : vector<32xbf16>
          %unpack3A_279 = tpu.unpack_subelements %mul3A_278, 0 {pack_format = #tpu.pack_format<interleaved>} : vector<32xbf16> -> vector<16xf32>
          %unpack3A_280 = tpu.unpack_subelements %mul3A_278, 1 {pack_format = #tpu.pack_format<interleaved>} : vector<32xbf16> -> vector<16xf32>
          %add3A_281 = arith.addf %add3A_265, %unpack3A_279 : vector<16xf32>
          %add3A_282 = arith.addf %add3A_266, %unpack3A_280 : vector<16xf32>
          %add3A_283 = arith.constant 1 : i32
          %add3A_284 = vector.broadcast %add3A_283 : i32 to vector<16xi32>
          %add3A_285 = arith.addi %and3A_272, %add3A_284 : vector<16xi32>
          %and3A_286 = arith.constant 63 : i32
          %and3A_287 = vector.broadcast %and3A_286 : i32 to vector<16xi32>
          %and3A_288 = arith.andi %add3A_285, %and3A_287 : vector<16xi32>
          %gather3A_289 = tpu.vector_load_idx %arg10[%add3A_119, %and3A_288] : memref<80x64xi32, #tpu.memory_space<vmem>>[vector<16xi32>, vector<16xi32>], vector<16xi32>,
          %gather3A_290 = tpu.vector_load_idx %arg11[%add3A_119, %and3A_288] : memref<80x64xi32, #tpu.memory_space<vmem>>[vector<16xi32>, vector<16xi32>], vector<16xi32>,
          %bitcast3A_291 = vector.bitcast %gather3A_289 : vector<16xi32> to vector<32xbf16>
          %bitcast3A_292 = vector.bitcast %gather3A_290 : vector<16xi32> to vector<32xbf16>
          %sub3A_293 = arith.subf %bitcast3A_291, %bitcast3A_292 : vector<32xbf16>
          %mul3A_294 = arith.mulf %sub3A_293, %sub3A_293 : vector<32xbf16>
          %unpack3A_295 = tpu.unpack_subelements %mul3A_294, 0 {pack_format = #tpu.pack_format<interleaved>} : vector<32xbf16> -> vector<16xf32>
          %unpack3A_296 = tpu.unpack_subelements %mul3A_294, 1 {pack_format = #tpu.pack_format<interleaved>} : vector<32xbf16> -> vector<16xf32>
          %add3A_297 = arith.addf %add3A_281, %unpack3A_295 : vector<16xf32>
          %add3A_298 = arith.addf %add3A_282, %unpack3A_296 : vector<16xf32>
          %add3A_299 = arith.constant 1 : i32
          %add3A_300 = vector.broadcast %add3A_299 : i32 to vector<16xi32>
          %add3A_301 = arith.addi %and3A_288, %add3A_300 : vector<16xi32>
          %and3A_302 = arith.constant 63 : i32
          %and3A_303 = vector.broadcast %and3A_302 : i32 to vector<16xi32>
          %and3A_304 = arith.andi %add3A_301, %and3A_303 : vector<16xi32>
          %gather3A_305 = tpu.vector_load_idx %arg10[%add3A_119, %and3A_304] : memref<80x64xi32, #tpu.memory_space<vmem>>[vector<16xi32>, vector<16xi32>], vector<16xi32>,
          %gather3A_306 = tpu.vector_load_idx %arg11[%add3A_119, %and3A_304] : memref<80x64xi32, #tpu.memory_space<vmem>>[vector<16xi32>, vector<16xi32>], vector<16xi32>,
          %bitcast3A_307 = vector.bitcast %gather3A_305 : vector<16xi32> to vector<32xbf16>
          %bitcast3A_308 = vector.bitcast %gather3A_306 : vector<16xi32> to vector<32xbf16>
          %sub3A_309 = arith.subf %bitcast3A_307, %bitcast3A_308 : vector<32xbf16>
          %mul3A_310 = arith.mulf %sub3A_309, %sub3A_309 : vector<32xbf16>
          %unpack3A_311 = tpu.unpack_subelements %mul3A_310, 0 {pack_format = #tpu.pack_format<interleaved>} : vector<32xbf16> -> vector<16xf32>
          %unpack3A_312 = tpu.unpack_subelements %mul3A_310, 1 {pack_format = #tpu.pack_format<interleaved>} : vector<32xbf16> -> vector<16xf32>
          %add3A_313 = arith.addf %add3A_297, %unpack3A_311 : vector<16xf32>
          %add3A_314 = arith.addf %add3A_298, %unpack3A_312 : vector<16xf32>
          %add3A_315 = arith.constant 1 : i32
          %add3A_316 = vector.broadcast %add3A_315 : i32 to vector<16xi32>
          %add3A_317 = arith.addi %and3A_304, %add3A_316 : vector<16xi32>
          %and3A_318 = arith.constant 63 : i32
          %and3A_319 = vector.broadcast %and3A_318 : i32 to vector<16xi32>
          %and3A_320 = arith.andi %add3A_317, %and3A_319 : vector<16xi32>
          %gather3A_321 = tpu.vector_load_idx %arg10[%add3A_119, %and3A_320] : memref<80x64xi32, #tpu.memory_space<vmem>>[vector<16xi32>, vector<16xi32>], vector<16xi32>,
          %gather3A_322 = tpu.vector_load_idx %arg11[%add3A_119, %and3A_320] : memref<80x64xi32, #tpu.memory_space<vmem>>[vector<16xi32>, vector<16xi32>], vector<16xi32>,
          %bitcast3A_323 = vector.bitcast %gather3A_321 : vector<16xi32> to vector<32xbf16>
          %bitcast3A_324 = vector.bitcast %gather3A_322 : vector<16xi32> to vector<32xbf16>
          %sub3A_325 = arith.subf %bitcast3A_323, %bitcast3A_324 : vector<32xbf16>
          %mul3A_326 = arith.mulf %sub3A_325, %sub3A_325 : vector<32xbf16>
          %unpack3A_327 = tpu.unpack_subelements %mul3A_326, 0 {pack_format = #tpu.pack_format<interleaved>} : vector<32xbf16> -> vector<16xf32>
          %unpack3A_328 = tpu.unpack_subelements %mul3A_326, 1 {pack_format = #tpu.pack_format<interleaved>} : vector<32xbf16> -> vector<16xf32>
          %add3A_329 = arith.addf %add3A_313, %unpack3A_327 : vector<16xf32>
          %add3A_330 = arith.addf %add3A_314, %unpack3A_328 : vector<16xf32>
          %add3A_331 = arith.constant 1 : i32
          %add3A_332 = vector.broadcast %add3A_331 : i32 to vector<16xi32>
          %add3A_333 = arith.addi %and3A_320, %add3A_332 : vector<16xi32>
          %and3A_334 = arith.constant 63 : i32
          %and3A_335 = vector.broadcast %and3A_334 : i32 to vector<16xi32>
          %and3A_336 = arith.andi %add3A_333, %and3A_335 : vector<16xi32>
          %gather3A_337 = tpu.vector_load_idx %arg10[%add3A_119, %and3A_336] : memref<80x64xi32, #tpu.memory_space<vmem>>[vector<16xi32>, vector<16xi32>], vector<16xi32>,
          %gather3A_338 = tpu.vector_load_idx %arg11[%add3A_119, %and3A_336] : memref<80x64xi32, #tpu.memory_space<vmem>>[vector<16xi32>, vector<16xi32>], vector<16xi32>,
          %bitcast3A_339 = vector.bitcast %gather3A_337 : vector<16xi32> to vector<32xbf16>
          %bitcast3A_340 = vector.bitcast %gather3A_338 : vector<16xi32> to vector<32xbf16>
          %sub3A_341 = arith.subf %bitcast3A_339, %bitcast3A_340 : vector<32xbf16>
          %mul3A_342 = arith.mulf %sub3A_341, %sub3A_341 : vector<32xbf16>
          %unpack3A_343 = tpu.unpack_subelements %mul3A_342, 0 {pack_format = #tpu.pack_format<interleaved>} : vector<32xbf16> -> vector<16xf32>
          %unpack3A_344 = tpu.unpack_subelements %mul3A_342, 1 {pack_format = #tpu.pack_format<interleaved>} : vector<32xbf16> -> vector<16xf32>
          %add3A_345 = arith.addf %add3A_329, %unpack3A_343 : vector<16xf32>
          %add3A_346 = arith.addf %add3A_330, %unpack3A_344 : vector<16xf32>
          %add3A_347 = arith.constant 1 : i32
          %add3A_348 = vector.broadcast %add3A_347 : i32 to vector<16xi32>
          %add3A_349 = arith.addi %and3A_336, %add3A_348 : vector<16xi32>
          %and3A_350 = arith.constant 63 : i32
          %and3A_351 = vector.broadcast %and3A_350 : i32 to vector<16xi32>
          %and3A_352 = arith.andi %add3A_349, %and3A_351 : vector<16xi32>
          %gather3A_353 = tpu.vector_load_idx %arg10[%add3A_119, %and3A_352] : memref<80x64xi32, #tpu.memory_space<vmem>>[vector<16xi32>, vector<16xi32>], vector<16xi32>,
          %gather3A_354 = tpu.vector_load_idx %arg11[%add3A_119, %and3A_352] : memref<80x64xi32, #tpu.memory_space<vmem>>[vector<16xi32>, vector<16xi32>], vector<16xi32>,
          %bitcast3A_355 = vector.bitcast %gather3A_353 : vector<16xi32> to vector<32xbf16>
          %bitcast3A_356 = vector.bitcast %gather3A_354 : vector<16xi32> to vector<32xbf16>
          %sub3A_357 = arith.subf %bitcast3A_355, %bitcast3A_356 : vector<32xbf16>
          %mul3A_358 = arith.mulf %sub3A_357, %sub3A_357 : vector<32xbf16>
          %unpack3A_359 = tpu.unpack_subelements %mul3A_358, 0 {pack_format = #tpu.pack_format<interleaved>} : vector<32xbf16> -> vector<16xf32>
          %unpack3A_360 = tpu.unpack_subelements %mul3A_358, 1 {pack_format = #tpu.pack_format<interleaved>} : vector<32xbf16> -> vector<16xf32>
          %add3A_361 = arith.addf %add3A_345, %unpack3A_359 : vector<16xf32>
          %add3A_362 = arith.addf %add3A_346, %unpack3A_360 : vector<16xf32>
          %add3A_363 = arith.constant 1 : i32
          %add3A_364 = vector.broadcast %add3A_363 : i32 to vector<16xi32>
          %add3A_365 = arith.addi %and3A_352, %add3A_364 : vector<16xi32>
          %and3A_366 = arith.constant 63 : i32
          %and3A_367 = vector.broadcast %and3A_366 : i32 to vector<16xi32>
          %and3A_368 = arith.andi %add3A_365, %and3A_367 : vector<16xi32>
          %gather3A_369 = tpu.vector_load_idx %arg10[%add3A_119, %and3A_368] : memref<80x64xi32, #tpu.memory_space<vmem>>[vector<16xi32>, vector<16xi32>], vector<16xi32>,
          %gather3A_370 = tpu.vector_load_idx %arg11[%add3A_119, %and3A_368] : memref<80x64xi32, #tpu.memory_space<vmem>>[vector<16xi32>, vector<16xi32>], vector<16xi32>,
          %bitcast3A_371 = vector.bitcast %gather3A_369 : vector<16xi32> to vector<32xbf16>
          %bitcast3A_372 = vector.bitcast %gather3A_370 : vector<16xi32> to vector<32xbf16>
          %sub3A_373 = arith.subf %bitcast3A_371, %bitcast3A_372 : vector<32xbf16>
          %mul3A_374 = arith.mulf %sub3A_373, %sub3A_373 : vector<32xbf16>
          %unpack3A_375 = tpu.unpack_subelements %mul3A_374, 0 {pack_format = #tpu.pack_format<interleaved>} : vector<32xbf16> -> vector<16xf32>
          %unpack3A_376 = tpu.unpack_subelements %mul3A_374, 1 {pack_format = #tpu.pack_format<interleaved>} : vector<32xbf16> -> vector<16xf32>
          %add3A_377 = arith.addf %add3A_361, %unpack3A_375 : vector<16xf32>
          %add3A_378 = arith.addf %add3A_362, %unpack3A_376 : vector<16xf32>
          %add3A_379 = arith.constant 1 : i32
          %add3A_380 = vector.broadcast %add3A_379 : i32 to vector<16xi32>
          %add3A_381 = arith.addi %and3A_368, %add3A_380 : vector<16xi32>
          %and3A_382 = arith.constant 63 : i32
          %and3A_383 = vector.broadcast %and3A_382 : i32 to vector<16xi32>
          %and3A_384 = arith.andi %add3A_381, %and3A_383 : vector<16xi32>
          %gather3A_385 = tpu.vector_load_idx %arg10[%add3A_119, %and3A_384] : memref<80x64xi32, #tpu.memory_space<vmem>>[vector<16xi32>, vector<16xi32>], vector<16xi32>,
          %gather3A_386 = tpu.vector_load_idx %arg11[%add3A_119, %and3A_384] : memref<80x64xi32, #tpu.memory_space<vmem>>[vector<16xi32>, vector<16xi32>], vector<16xi32>,
          %bitcast3A_387 = vector.bitcast %gather3A_385 : vector<16xi32> to vector<32xbf16>
          %bitcast3A_388 = vector.bitcast %gather3A_386 : vector<16xi32> to vector<32xbf16>
          %sub3A_389 = arith.subf %bitcast3A_387, %bitcast3A_388 : vector<32xbf16>
          %mul3A_390 = arith.mulf %sub3A_389, %sub3A_389 : vector<32xbf16>
          %unpack3A_391 = tpu.unpack_subelements %mul3A_390, 0 {pack_format = #tpu.pack_format<interleaved>} : vector<32xbf16> -> vector<16xf32>
          %unpack3A_392 = tpu.unpack_subelements %mul3A_390, 1 {pack_format = #tpu.pack_format<interleaved>} : vector<32xbf16> -> vector<16xf32>
          %add3A_393 = arith.addf %add3A_377, %unpack3A_391 : vector<16xf32>
          %add3A_394 = arith.addf %add3A_378, %unpack3A_392 : vector<16xf32>
          %add3A_395 = arith.constant 1 : i32
          %add3A_396 = vector.broadcast %add3A_395 : i32 to vector<16xi32>
          %add3A_397 = arith.addi %and3A_384, %add3A_396 : vector<16xi32>
          %and3A_398 = arith.constant 63 : i32
          %and3A_399 = vector.broadcast %and3A_398 : i32 to vector<16xi32>
          %and3A_400 = arith.andi %add3A_397, %and3A_399 : vector<16xi32>
          scf.yield %add3A_393, %add3A_394, %and3A_400 : vector<16xf32>, vector<16xf32>, vector<16xi32>
        }
        %scan3A_129 = arith.constant 4 : i32
        %add3A_130 = arith.addf %scan3A_128#0, %scan3A_128#1 : vector<16xf32>
        %mul3A_131 = arith.constant -7.812500e-03 : f32
        %mul3A_132 = vector.broadcast %mul3A_131 : f32 to vector<16xf32>
        %mul3A_133 = arith.mulf %add3A_130, %mul3A_132 : vector<16xf32>
        %exp3A = math.exp %mul3A_133 : vector<16xf32>
        %mul3A_134 = arith.constant 80 : i32
        %mul3A_135 = arith.muli %mul3A_45, %mul3A_134 : i32
        %mul3A_136 = arith.constant 16 : i32
        %mul3A_137 = arith.muli %scan3A_114, %mul3A_136 : i32
        %add3A_138 = arith.addi %mul3A_135, %mul3A_137 : i32
        %get3A = arith.index_cast %add3A_138 : i32 to index
        %get3A_139 = tpu.vector_load %arg9[%get3A] {strides = array<i32>} : memref<10000xf32, #tpu.memory_space<vmem>>, vector<16xf32>,
        %sub3A = arith.subf %get3A_139, %exp3A : vector<16xf32>
        %mul3A_140 = arith.constant 5.000000e-01 : f32
        %mul3A_141 = vector.broadcast %mul3A_140 : f32 to vector<16xf32>
        %mul3A_142 = arith.mulf %mul3A_141, %sub3A : vector<16xf32>
        %mul3A_143 = arith.mulf %mul3A_142, %sub3A : vector<16xf32>
        %add3A_144 = arith.addf %scan3A_115, %mul3A_143 : vector<16xf32>
        scf.yield %add3A_144 : vector<16xf32>
      }
      %scan3A_77 = arith.constant 5 : i32
      %add3A_78 = arith.constant 2 : i32
      %add3A_79 = arith.addi %mul3A_45, %add3A_78 : i32
      %dma_start3A_80 = arith.constant 0 : i32
      %dma_start3A_81 = tpu.memref_slice %arg7[%add3A_79, %dma_start3A_80] : memref<125x80xi32, #tpu.memory_space<vmem>> -> memref<1x80xi32, #tpu.memory_space<vmem>>
      %dma_start3A_82 = tpu.memref_squeeze %dma_start3A_81 : memref<1x80xi32, #tpu.memory_space<vmem>> -> memref<80xi32, #tpu.memory_space<vmem>>
      %dma_start3A_83 = arith.constant 0 : i32
      %dma_start3A_84 = arith.constant 0 : i32
      %dma_start3A_85 = tpu.memref_slice %arg15[%dma_start3A_83, %dma_start3A_84] : memref<10000x64xi32, #tpu.memory_space<vmem_shared>> -> memref<10000x64xi32, #tpu.memory_space<vmem_shared>>
      tpu.enqueue_indirect_dma source(%dma_start3A_85 : memref<10000x64xi32, #tpu.memory_space<vmem_shared>>) target(%arg10 : memref<80x64xi32, #tpu.memory_space<vmem>>) offsets(%dma_start3A_82 : memref<80xi32, #tpu.memory_space<vmem>>) semaphore(%arg16 : memref<!tpu.dma_semaphore, #tpu.memory_space<semaphore_mem>>)
      %dma_start3A_86 = arith.constant 0 : i32
      %dma_start3A_87 = tpu.memref_slice %arg8[%add3A_79, %dma_start3A_86] : memref<125x80xi32, #tpu.memory_space<vmem>> -> memref<1x80xi32, #tpu.memory_space<vmem>>
      %dma_start3A_88 = tpu.memref_squeeze %dma_start3A_87 : memref<1x80xi32, #tpu.memory_space<vmem>> -> memref<80xi32, #tpu.memory_space<vmem>>
      %dma_start3A_89 = arith.constant 0 : i32
      %dma_start3A_90 = arith.constant 0 : i32
      %dma_start3A_91 = tpu.memref_slice %arg15[%dma_start3A_89, %dma_start3A_90] : memref<10000x64xi32, #tpu.memory_space<vmem_shared>> -> memref<10000x64xi32, #tpu.memory_space<vmem_shared>>
      tpu.enqueue_indirect_dma source(%dma_start3A_91 : memref<10000x64xi32, #tpu.memory_space<vmem_shared>>) target(%arg11 : memref<80x64xi32, #tpu.memory_space<vmem>>) offsets(%dma_start3A_88 : memref<80xi32, #tpu.memory_space<vmem>>) semaphore(%arg17 : memref<!tpu.dma_semaphore, #tpu.memory_space<semaphore_mem>>)
      %add3A_92 = arith.constant 1 : i32
      %add3A_93 = arith.addi %mul3A_45, %add3A_92 : i32
      %dma_wait3A_94 = arith.constant 0 : i32
      %dma_wait3A_95 = tpu.memref_slice %arg7[%add3A_93, %dma_wait3A_94] : memref<125x80xi32, #tpu.memory_space<vmem>> -> memref<1x80xi32, #tpu.memory_space<vmem>>
      %dma_wait3A_96 = tpu.memref_squeeze %dma_wait3A_95 : memref<1x80xi32, #tpu.memory_space<vmem>> -> memref<80xi32, #tpu.memory_space<vmem>>
      %dma_wait3A_97 = arith.constant 0 : i32
      %dma_wait3A_98 = arith.constant 0 : i32
      %dma_wait3A_99 = tpu.memref_slice %arg15[%dma_wait3A_97, %dma_wait3A_98] : memref<10000x64xi32, #tpu.memory_space<vmem_shared>> -> memref<10000x64xi32, #tpu.memory_space<vmem_shared>>
      tpu.wait_indirect_dma semaphore(%arg18 : memref<!tpu.dma_semaphore, #tpu.memory_space<semaphore_mem>>) src(%dma_wait3A_99 : memref<10000x64xi32, #tpu.memory_space<vmem_shared>>) dst(%arg12 : memref<80x64xi32, #tpu.memory_space<vmem>>)
      %dma_wait3A_100 = arith.constant 0 : i32
      %dma_wait3A_101 = tpu.memref_slice %arg8[%add3A_93, %dma_wait3A_100] : memref<125x80xi32, #tpu.memory_space<vmem>> -> memref<1x80xi32, #tpu.memory_space<vmem>>
      %dma_wait3A_102 = tpu.memref_squeeze %dma_wait3A_101 : memref<1x80xi32, #tpu.memory_space<vmem>> -> memref<80xi32, #tpu.memory_space<vmem>>
      %dma_wait3A_103 = arith.constant 0 : i32
      %dma_wait3A_104 = arith.constant 0 : i32
      %dma_wait3A_105 = tpu.memref_slice %arg15[%dma_wait3A_103, %dma_wait3A_104] : memref<10000x64xi32, #tpu.memory_space<vmem_shared>> -> memref<10000x64xi32, #tpu.memory_space<vmem_shared>>
      tpu.wait_indirect_dma semaphore(%arg19 : memref<!tpu.dma_semaphore, #tpu.memory_space<semaphore_mem>>) src(%dma_wait3A_105 : memref<10000x64xi32, #tpu.memory_space<vmem_shared>>) dst(%arg13 : memref<80x64xi32, #tpu.memory_space<vmem>>)
      %add3A_106 = arith.constant 1 : i32
      %add3A_107 = arith.addi %mul3A_45, %add3A_106 : i32
      %scan3A_108 = arith.constant 0 : i32
      %scan3A_109 = arith.constant 5 : i32
      %scan3A_110 = arith.addi %scan3A_108, %scan3A_109 : i32
      %scan3A_111 = arith.constant 1 : i32
      %scan3A_112 = scf.for %scan3A_114 = %scan3A_108 to %scan3A_110 step %scan3A_111 iter_args(%scan3A_115 = %scan3A_76) -> (vector<16xf32>)  : i32 {
        %mul3A_116 = arith.constant 16 : i32
        %mul3A_117 = arith.muli %scan3A_114, %mul3A_116 : i32
        %add3A_118 = vector.broadcast %mul3A_117 : i32 to vector<16xi32>
        %add3A_119 = arith.addi %add3A_118, %iota3A : vector<16xi32>
        %broadcast_in_dim3A_120 = arith.constant 0.000000e+00 : f32
        %broadcast_in_dim3A_121 = vector.broadcast %broadcast_in_dim3A_120 : f32 to vector<16xf32>
        %broadcast_in_dim3A_122 = arith.constant 0.000000e+00 : f32
        %broadcast_in_dim3A_123 = vector.broadcast %broadcast_in_dim3A_122 : f32 to vector<16xf32>
        %scan3A_124 = arith.constant 0 : i32
        %scan3A_125 = arith.constant 4 : i32
        %scan3A_126 = arith.addi %scan3A_124, %scan3A_125 : i32
        %scan3A_127 = arith.constant 1 : i32
        %scan3A_128:3 = scf.for %scan3A_145 = %scan3A_124 to %scan3A_126 step %scan3A_127 iter_args(%scan3A_146 = %broadcast_in_dim3A_121, %scan3A_147 = %broadcast_in_dim3A_123, %scan3A_148 = %iota3A) -> (vector<16xf32>, vector<16xf32>, vector<16xi32>)  : i32 {
          %gather3A = tpu.vector_load_idx %arg12[%add3A_119, %scan3A_148] : memref<80x64xi32, #tpu.memory_space<vmem>>[vector<16xi32>, vector<16xi32>], vector<16xi32>,
          %gather3A_149 = tpu.vector_load_idx %arg13[%add3A_119, %scan3A_148] : memref<80x64xi32, #tpu.memory_space<vmem>>[vector<16xi32>, vector<16xi32>], vector<16xi32>,
          %bitcast3A = vector.bitcast %gather3A : vector<16xi32> to vector<32xbf16>
          %bitcast3A_150 = vector.bitcast %gather3A_149 : vector<16xi32> to vector<32xbf16>
          %sub3A_151 = arith.subf %bitcast3A, %bitcast3A_150 : vector<32xbf16>
          %mul3A_152 = arith.mulf %sub3A_151, %sub3A_151 : vector<32xbf16>
          %unpack3A = tpu.unpack_subelements %mul3A_152, 0 {pack_format = #tpu.pack_format<interleaved>} : vector<32xbf16> -> vector<16xf32>
          %unpack3A_153 = tpu.unpack_subelements %mul3A_152, 1 {pack_format = #tpu.pack_format<interleaved>} : vector<32xbf16> -> vector<16xf32>
          %add3A_154 = arith.addf %scan3A_146, %unpack3A : vector<16xf32>
          %add3A_155 = arith.addf %scan3A_147, %unpack3A_153 : vector<16xf32>
          %add3A_156 = arith.constant 1 : i32
          %add3A_157 = vector.broadcast %add3A_156 : i32 to vector<16xi32>
          %add3A_158 = arith.addi %scan3A_148, %add3A_157 : vector<16xi32>
          %and3A = arith.constant 63 : i32
          %and3A_159 = vector.broadcast %and3A : i32 to vector<16xi32>
          %and3A_160 = arith.andi %add3A_158, %and3A_159 : vector<16xi32>
          %gather3A_161 = tpu.vector_load_idx %arg12[%add3A_119, %and3A_160] : memref<80x64xi32, #tpu.memory_space<vmem>>[vector<16xi32>, vector<16xi32>], vector<16xi32>,
          %gather3A_162 = tpu.vector_load_idx %arg13[%add3A_119, %and3A_160] : memref<80x64xi32, #tpu.memory_space<vmem>>[vector<16xi32>, vector<16xi32>], vector<16xi32>,
          %bitcast3A_163 = vector.bitcast %gather3A_161 : vector<16xi32> to vector<32xbf16>
          %bitcast3A_164 = vector.bitcast %gather3A_162 : vector<16xi32> to vector<32xbf16>
          %sub3A_165 = arith.subf %bitcast3A_163, %bitcast3A_164 : vector<32xbf16>
          %mul3A_166 = arith.mulf %sub3A_165, %sub3A_165 : vector<32xbf16>
          %unpack3A_167 = tpu.unpack_subelements %mul3A_166, 0 {pack_format = #tpu.pack_format<interleaved>} : vector<32xbf16> -> vector<16xf32>
          %unpack3A_168 = tpu.unpack_subelements %mul3A_166, 1 {pack_format = #tpu.pack_format<interleaved>} : vector<32xbf16> -> vector<16xf32>
          %add3A_169 = arith.addf %add3A_154, %unpack3A_167 : vector<16xf32>
          %add3A_170 = arith.addf %add3A_155, %unpack3A_168 : vector<16xf32>
          %add3A_171 = arith.constant 1 : i32
          %add3A_172 = vector.broadcast %add3A_171 : i32 to vector<16xi32>
          %add3A_173 = arith.addi %and3A_160, %add3A_172 : vector<16xi32>
          %and3A_174 = arith.constant 63 : i32
          %and3A_175 = vector.broadcast %and3A_174 : i32 to vector<16xi32>
          %and3A_176 = arith.andi %add3A_173, %and3A_175 : vector<16xi32>
          %gather3A_177 = tpu.vector_load_idx %arg12[%add3A_119, %and3A_176] : memref<80x64xi32, #tpu.memory_space<vmem>>[vector<16xi32>, vector<16xi32>], vector<16xi32>,
          %gather3A_178 = tpu.vector_load_idx %arg13[%add3A_119, %and3A_176] : memref<80x64xi32, #tpu.memory_space<vmem>>[vector<16xi32>, vector<16xi32>], vector<16xi32>,
          %bitcast3A_179 = vector.bitcast %gather3A_177 : vector<16xi32> to vector<32xbf16>
          %bitcast3A_180 = vector.bitcast %gather3A_178 : vector<16xi32> to vector<32xbf16>
          %sub3A_181 = arith.subf %bitcast3A_179, %bitcast3A_180 : vector<32xbf16>
          %mul3A_182 = arith.mulf %sub3A_181, %sub3A_181 : vector<32xbf16>
          %unpack3A_183 = tpu.unpack_subelements %mul3A_182, 0 {pack_format = #tpu.pack_format<interleaved>} : vector<32xbf16> -> vector<16xf32>
          %unpack3A_184 = tpu.unpack_subelements %mul3A_182, 1 {pack_format = #tpu.pack_format<interleaved>} : vector<32xbf16> -> vector<16xf32>
          %add3A_185 = arith.addf %add3A_169, %unpack3A_183 : vector<16xf32>
          %add3A_186 = arith.addf %add3A_170, %unpack3A_184 : vector<16xf32>
          %add3A_187 = arith.constant 1 : i32
          %add3A_188 = vector.broadcast %add3A_187 : i32 to vector<16xi32>
          %add3A_189 = arith.addi %and3A_176, %add3A_188 : vector<16xi32>
          %and3A_190 = arith.constant 63 : i32
          %and3A_191 = vector.broadcast %and3A_190 : i32 to vector<16xi32>
          %and3A_192 = arith.andi %add3A_189, %and3A_191 : vector<16xi32>
          %gather3A_193 = tpu.vector_load_idx %arg12[%add3A_119, %and3A_192] : memref<80x64xi32, #tpu.memory_space<vmem>>[vector<16xi32>, vector<16xi32>], vector<16xi32>,
          %gather3A_194 = tpu.vector_load_idx %arg13[%add3A_119, %and3A_192] : memref<80x64xi32, #tpu.memory_space<vmem>>[vector<16xi32>, vector<16xi32>], vector<16xi32>,
          %bitcast3A_195 = vector.bitcast %gather3A_193 : vector<16xi32> to vector<32xbf16>
          %bitcast3A_196 = vector.bitcast %gather3A_194 : vector<16xi32> to vector<32xbf16>
          %sub3A_197 = arith.subf %bitcast3A_195, %bitcast3A_196 : vector<32xbf16>
          %mul3A_198 = arith.mulf %sub3A_197, %sub3A_197 : vector<32xbf16>
          %unpack3A_199 = tpu.unpack_subelements %mul3A_198, 0 {pack_format = #tpu.pack_format<interleaved>} : vector<32xbf16> -> vector<16xf32>
          %unpack3A_200 = tpu.unpack_subelements %mul3A_198, 1 {pack_format = #tpu.pack_format<interleaved>} : vector<32xbf16> -> vector<16xf32>
          %add3A_201 = arith.addf %add3A_185, %unpack3A_199 : vector<16xf32>
          %add3A_202 = arith.addf %add3A_186, %unpack3A_200 : vector<16xf32>
          %add3A_203 = arith.constant 1 : i32
          %add3A_204 = vector.broadcast %add3A_203 : i32 to vector<16xi32>
          %add3A_205 = arith.addi %and3A_192, %add3A_204 : vector<16xi32>
          %and3A_206 = arith.constant 63 : i32
          %and3A_207 = vector.broadcast %and3A_206 : i32 to vector<16xi32>
          %and3A_208 = arith.andi %add3A_205, %and3A_207 : vector<16xi32>
          %gather3A_209 = tpu.vector_load_idx %arg12[%add3A_119, %and3A_208] : memref<80x64xi32, #tpu.memory_space<vmem>>[vector<16xi32>, vector<16xi32>], vector<16xi32>,
          %gather3A_210 = tpu.vector_load_idx %arg13[%add3A_119, %and3A_208] : memref<80x64xi32, #tpu.memory_space<vmem>>[vector<16xi32>, vector<16xi32>], vector<16xi32>,
          %bitcast3A_211 = vector.bitcast %gather3A_209 : vector<16xi32> to vector<32xbf16>
          %bitcast3A_212 = vector.bitcast %gather3A_210 : vector<16xi32> to vector<32xbf16>
          %sub3A_213 = arith.subf %bitcast3A_211, %bitcast3A_212 : vector<32xbf16>
          %mul3A_214 = arith.mulf %sub3A_213, %sub3A_213 : vector<32xbf16>
          %unpack3A_215 = tpu.unpack_subelements %mul3A_214, 0 {pack_format = #tpu.pack_format<interleaved>} : vector<32xbf16> -> vector<16xf32>
          %unpack3A_216 = tpu.unpack_subelements %mul3A_214, 1 {pack_format = #tpu.pack_format<interleaved>} : vector<32xbf16> -> vector<16xf32>
          %add3A_217 = arith.addf %add3A_201, %unpack3A_215 : vector<16xf32>
          %add3A_218 = arith.addf %add3A_202, %unpack3A_216 : vector<16xf32>
          %add3A_219 = arith.constant 1 : i32
          %add3A_220 = vector.broadcast %add3A_219 : i32 to vector<16xi32>
          %add3A_221 = arith.addi %and3A_208, %add3A_220 : vector<16xi32>
          %and3A_222 = arith.constant 63 : i32
          %and3A_223 = vector.broadcast %and3A_222 : i32 to vector<16xi32>
          %and3A_224 = arith.andi %add3A_221, %and3A_223 : vector<16xi32>
          %gather3A_225 = tpu.vector_load_idx %arg12[%add3A_119, %and3A_224] : memref<80x64xi32, #tpu.memory_space<vmem>>[vector<16xi32>, vector<16xi32>], vector<16xi32>,
          %gather3A_226 = tpu.vector_load_idx %arg13[%add3A_119, %and3A_224] : memref<80x64xi32, #tpu.memory_space<vmem>>[vector<16xi32>, vector<16xi32>], vector<16xi32>,
          %bitcast3A_227 = vector.bitcast %gather3A_225 : vector<16xi32> to vector<32xbf16>
          %bitcast3A_228 = vector.bitcast %gather3A_226 : vector<16xi32> to vector<32xbf16>
          %sub3A_229 = arith.subf %bitcast3A_227, %bitcast3A_228 : vector<32xbf16>
          %mul3A_230 = arith.mulf %sub3A_229, %sub3A_229 : vector<32xbf16>
          %unpack3A_231 = tpu.unpack_subelements %mul3A_230, 0 {pack_format = #tpu.pack_format<interleaved>} : vector<32xbf16> -> vector<16xf32>
          %unpack3A_232 = tpu.unpack_subelements %mul3A_230, 1 {pack_format = #tpu.pack_format<interleaved>} : vector<32xbf16> -> vector<16xf32>
          %add3A_233 = arith.addf %add3A_217, %unpack3A_231 : vector<16xf32>
          %add3A_234 = arith.addf %add3A_218, %unpack3A_232 : vector<16xf32>
          %add3A_235 = arith.constant 1 : i32
          %add3A_236 = vector.broadcast %add3A_235 : i32 to vector<16xi32>
          %add3A_237 = arith.addi %and3A_224, %add3A_236 : vector<16xi32>
          %and3A_238 = arith.constant 63 : i32
          %and3A_239 = vector.broadcast %and3A_238 : i32 to vector<16xi32>
          %and3A_240 = arith.andi %add3A_237, %and3A_239 : vector<16xi32>
          %gather3A_241 = tpu.vector_load_idx %arg12[%add3A_119, %and3A_240] : memref<80x64xi32, #tpu.memory_space<vmem>>[vector<16xi32>, vector<16xi32>], vector<16xi32>,
          %gather3A_242 = tpu.vector_load_idx %arg13[%add3A_119, %and3A_240] : memref<80x64xi32, #tpu.memory_space<vmem>>[vector<16xi32>, vector<16xi32>], vector<16xi32>,
          %bitcast3A_243 = vector.bitcast %gather3A_241 : vector<16xi32> to vector<32xbf16>
          %bitcast3A_244 = vector.bitcast %gather3A_242 : vector<16xi32> to vector<32xbf16>
          %sub3A_245 = arith.subf %bitcast3A_243, %bitcast3A_244 : vector<32xbf16>
          %mul3A_246 = arith.mulf %sub3A_245, %sub3A_245 : vector<32xbf16>
          %unpack3A_247 = tpu.unpack_subelements %mul3A_246, 0 {pack_format = #tpu.pack_format<interleaved>} : vector<32xbf16> -> vector<16xf32>
          %unpack3A_248 = tpu.unpack_subelements %mul3A_246, 1 {pack_format = #tpu.pack_format<interleaved>} : vector<32xbf16> -> vector<16xf32>
          %add3A_249 = arith.addf %add3A_233, %unpack3A_247 : vector<16xf32>
          %add3A_250 = arith.addf %add3A_234, %unpack3A_248 : vector<16xf32>
          %add3A_251 = arith.constant 1 : i32
          %add3A_252 = vector.broadcast %add3A_251 : i32 to vector<16xi32>
          %add3A_253 = arith.addi %and3A_240, %add3A_252 : vector<16xi32>
          %and3A_254 = arith.constant 63 : i32
          %and3A_255 = vector.broadcast %and3A_254 : i32 to vector<16xi32>
          %and3A_256 = arith.andi %add3A_253, %and3A_255 : vector<16xi32>
          %gather3A_257 = tpu.vector_load_idx %arg12[%add3A_119, %and3A_256] : memref<80x64xi32, #tpu.memory_space<vmem>>[vector<16xi32>, vector<16xi32>], vector<16xi32>,
          %gather3A_258 = tpu.vector_load_idx %arg13[%add3A_119, %and3A_256] : memref<80x64xi32, #tpu.memory_space<vmem>>[vector<16xi32>, vector<16xi32>], vector<16xi32>,
          %bitcast3A_259 = vector.bitcast %gather3A_257 : vector<16xi32> to vector<32xbf16>
          %bitcast3A_260 = vector.bitcast %gather3A_258 : vector<16xi32> to vector<32xbf16>
          %sub3A_261 = arith.subf %bitcast3A_259, %bitcast3A_260 : vector<32xbf16>
          %mul3A_262 = arith.mulf %sub3A_261, %sub3A_261 : vector<32xbf16>
          %unpack3A_263 = tpu.unpack_subelements %mul3A_262, 0 {pack_format = #tpu.pack_format<interleaved>} : vector<32xbf16> -> vector<16xf32>
          %unpack3A_264 = tpu.unpack_subelements %mul3A_262, 1 {pack_format = #tpu.pack_format<interleaved>} : vector<32xbf16> -> vector<16xf32>
          %add3A_265 = arith.addf %add3A_249, %unpack3A_263 : vector<16xf32>
          %add3A_266 = arith.addf %add3A_250, %unpack3A_264 : vector<16xf32>
          %add3A_267 = arith.constant 1 : i32
          %add3A_268 = vector.broadcast %add3A_267 : i32 to vector<16xi32>
          %add3A_269 = arith.addi %and3A_256, %add3A_268 : vector<16xi32>
          %and3A_270 = arith.constant 63 : i32
          %and3A_271 = vector.broadcast %and3A_270 : i32 to vector<16xi32>
          %and3A_272 = arith.andi %add3A_269, %and3A_271 : vector<16xi32>
          %gather3A_273 = tpu.vector_load_idx %arg12[%add3A_119, %and3A_272] : memref<80x64xi32, #tpu.memory_space<vmem>>[vector<16xi32>, vector<16xi32>], vector<16xi32>,
          %gather3A_274 = tpu.vector_load_idx %arg13[%add3A_119, %and3A_272] : memref<80x64xi32, #tpu.memory_space<vmem>>[vector<16xi32>, vector<16xi32>], vector<16xi32>,
          %bitcast3A_275 = vector.bitcast %gather3A_273 : vector<16xi32> to vector<32xbf16>
          %bitcast3A_276 = vector.bitcast %gather3A_274 : vector<16xi32> to vector<32xbf16>
          %sub3A_277 = arith.subf %bitcast3A_275, %bitcast3A_276 : vector<32xbf16>
          %mul3A_278 = arith.mulf %sub3A_277, %sub3A_277 : vector<32xbf16>
          %unpack3A_279 = tpu.unpack_subelements %mul3A_278, 0 {pack_format = #tpu.pack_format<interleaved>} : vector<32xbf16> -> vector<16xf32>
          %unpack3A_280 = tpu.unpack_subelements %mul3A_278, 1 {pack_format = #tpu.pack_format<interleaved>} : vector<32xbf16> -> vector<16xf32>
          %add3A_281 = arith.addf %add3A_265, %unpack3A_279 : vector<16xf32>
          %add3A_282 = arith.addf %add3A_266, %unpack3A_280 : vector<16xf32>
          %add3A_283 = arith.constant 1 : i32
          %add3A_284 = vector.broadcast %add3A_283 : i32 to vector<16xi32>
          %add3A_285 = arith.addi %and3A_272, %add3A_284 : vector<16xi32>
          %and3A_286 = arith.constant 63 : i32
          %and3A_287 = vector.broadcast %and3A_286 : i32 to vector<16xi32>
          %and3A_288 = arith.andi %add3A_285, %and3A_287 : vector<16xi32>
          %gather3A_289 = tpu.vector_load_idx %arg12[%add3A_119, %and3A_288] : memref<80x64xi32, #tpu.memory_space<vmem>>[vector<16xi32>, vector<16xi32>], vector<16xi32>,
          %gather3A_290 = tpu.vector_load_idx %arg13[%add3A_119, %and3A_288] : memref<80x64xi32, #tpu.memory_space<vmem>>[vector<16xi32>, vector<16xi32>], vector<16xi32>,
          %bitcast3A_291 = vector.bitcast %gather3A_289 : vector<16xi32> to vector<32xbf16>
          %bitcast3A_292 = vector.bitcast %gather3A_290 : vector<16xi32> to vector<32xbf16>
          %sub3A_293 = arith.subf %bitcast3A_291, %bitcast3A_292 : vector<32xbf16>
          %mul3A_294 = arith.mulf %sub3A_293, %sub3A_293 : vector<32xbf16>
          %unpack3A_295 = tpu.unpack_subelements %mul3A_294, 0 {pack_format = #tpu.pack_format<interleaved>} : vector<32xbf16> -> vector<16xf32>
          %unpack3A_296 = tpu.unpack_subelements %mul3A_294, 1 {pack_format = #tpu.pack_format<interleaved>} : vector<32xbf16> -> vector<16xf32>
          %add3A_297 = arith.addf %add3A_281, %unpack3A_295 : vector<16xf32>
          %add3A_298 = arith.addf %add3A_282, %unpack3A_296 : vector<16xf32>
          %add3A_299 = arith.constant 1 : i32
          %add3A_300 = vector.broadcast %add3A_299 : i32 to vector<16xi32>
          %add3A_301 = arith.addi %and3A_288, %add3A_300 : vector<16xi32>
          %and3A_302 = arith.constant 63 : i32
          %and3A_303 = vector.broadcast %and3A_302 : i32 to vector<16xi32>
          %and3A_304 = arith.andi %add3A_301, %and3A_303 : vector<16xi32>
          %gather3A_305 = tpu.vector_load_idx %arg12[%add3A_119, %and3A_304] : memref<80x64xi32, #tpu.memory_space<vmem>>[vector<16xi32>, vector<16xi32>], vector<16xi32>,
          %gather3A_306 = tpu.vector_load_idx %arg13[%add3A_119, %and3A_304] : memref<80x64xi32, #tpu.memory_space<vmem>>[vector<16xi32>, vector<16xi32>], vector<16xi32>,
          %bitcast3A_307 = vector.bitcast %gather3A_305 : vector<16xi32> to vector<32xbf16>
          %bitcast3A_308 = vector.bitcast %gather3A_306 : vector<16xi32> to vector<32xbf16>
          %sub3A_309 = arith.subf %bitcast3A_307, %bitcast3A_308 : vector<32xbf16>
          %mul3A_310 = arith.mulf %sub3A_309, %sub3A_309 : vector<32xbf16>
          %unpack3A_311 = tpu.unpack_subelements %mul3A_310, 0 {pack_format = #tpu.pack_format<interleaved>} : vector<32xbf16> -> vector<16xf32>
          %unpack3A_312 = tpu.unpack_subelements %mul3A_310, 1 {pack_format = #tpu.pack_format<interleaved>} : vector<32xbf16> -> vector<16xf32>
          %add3A_313 = arith.addf %add3A_297, %unpack3A_311 : vector<16xf32>
          %add3A_314 = arith.addf %add3A_298, %unpack3A_312 : vector<16xf32>
          %add3A_315 = arith.constant 1 : i32
          %add3A_316 = vector.broadcast %add3A_315 : i32 to vector<16xi32>
          %add3A_317 = arith.addi %and3A_304, %add3A_316 : vector<16xi32>
          %and3A_318 = arith.constant 63 : i32
          %and3A_319 = vector.broadcast %and3A_318 : i32 to vector<16xi32>
          %and3A_320 = arith.andi %add3A_317, %and3A_319 : vector<16xi32>
          %gather3A_321 = tpu.vector_load_idx %arg12[%add3A_119, %and3A_320] : memref<80x64xi32, #tpu.memory_space<vmem>>[vector<16xi32>, vector<16xi32>], vector<16xi32>,
          %gather3A_322 = tpu.vector_load_idx %arg13[%add3A_119, %and3A_320] : memref<80x64xi32, #tpu.memory_space<vmem>>[vector<16xi32>, vector<16xi32>], vector<16xi32>,
          %bitcast3A_323 = vector.bitcast %gather3A_321 : vector<16xi32> to vector<32xbf16>
          %bitcast3A_324 = vector.bitcast %gather3A_322 : vector<16xi32> to vector<32xbf16>
          %sub3A_325 = arith.subf %bitcast3A_323, %bitcast3A_324 : vector<32xbf16>
          %mul3A_326 = arith.mulf %sub3A_325, %sub3A_325 : vector<32xbf16>
          %unpack3A_327 = tpu.unpack_subelements %mul3A_326, 0 {pack_format = #tpu.pack_format<interleaved>} : vector<32xbf16> -> vector<16xf32>
          %unpack3A_328 = tpu.unpack_subelements %mul3A_326, 1 {pack_format = #tpu.pack_format<interleaved>} : vector<32xbf16> -> vector<16xf32>
          %add3A_329 = arith.addf %add3A_313, %unpack3A_327 : vector<16xf32>
          %add3A_330 = arith.addf %add3A_314, %unpack3A_328 : vector<16xf32>
          %add3A_331 = arith.constant 1 : i32
          %add3A_332 = vector.broadcast %add3A_331 : i32 to vector<16xi32>
          %add3A_333 = arith.addi %and3A_320, %add3A_332 : vector<16xi32>
          %and3A_334 = arith.constant 63 : i32
          %and3A_335 = vector.broadcast %and3A_334 : i32 to vector<16xi32>
          %and3A_336 = arith.andi %add3A_333, %and3A_335 : vector<16xi32>
          %gather3A_337 = tpu.vector_load_idx %arg12[%add3A_119, %and3A_336] : memref<80x64xi32, #tpu.memory_space<vmem>>[vector<16xi32>, vector<16xi32>], vector<16xi32>,
          %gather3A_338 = tpu.vector_load_idx %arg13[%add3A_119, %and3A_336] : memref<80x64xi32, #tpu.memory_space<vmem>>[vector<16xi32>, vector<16xi32>], vector<16xi32>,
          %bitcast3A_339 = vector.bitcast %gather3A_337 : vector<16xi32> to vector<32xbf16>
          %bitcast3A_340 = vector.bitcast %gather3A_338 : vector<16xi32> to vector<32xbf16>
          %sub3A_341 = arith.subf %bitcast3A_339, %bitcast3A_340 : vector<32xbf16>
          %mul3A_342 = arith.mulf %sub3A_341, %sub3A_341 : vector<32xbf16>
          %unpack3A_343 = tpu.unpack_subelements %mul3A_342, 0 {pack_format = #tpu.pack_format<interleaved>} : vector<32xbf16> -> vector<16xf32>
          %unpack3A_344 = tpu.unpack_subelements %mul3A_342, 1 {pack_format = #tpu.pack_format<interleaved>} : vector<32xbf16> -> vector<16xf32>
          %add3A_345 = arith.addf %add3A_329, %unpack3A_343 : vector<16xf32>
          %add3A_346 = arith.addf %add3A_330, %unpack3A_344 : vector<16xf32>
          %add3A_347 = arith.constant 1 : i32
          %add3A_348 = vector.broadcast %add3A_347 : i32 to vector<16xi32>
          %add3A_349 = arith.addi %and3A_336, %add3A_348 : vector<16xi32>
          %and3A_350 = arith.constant 63 : i32
          %and3A_351 = vector.broadcast %and3A_350 : i32 to vector<16xi32>
          %and3A_352 = arith.andi %add3A_349, %and3A_351 : vector<16xi32>
          %gather3A_353 = tpu.vector_load_idx %arg12[%add3A_119, %and3A_352] : memref<80x64xi32, #tpu.memory_space<vmem>>[vector<16xi32>, vector<16xi32>], vector<16xi32>,
          %gather3A_354 = tpu.vector_load_idx %arg13[%add3A_119, %and3A_352] : memref<80x64xi32, #tpu.memory_space<vmem>>[vector<16xi32>, vector<16xi32>], vector<16xi32>,
          %bitcast3A_355 = vector.bitcast %gather3A_353 : vector<16xi32> to vector<32xbf16>
          %bitcast3A_356 = vector.bitcast %gather3A_354 : vector<16xi32> to vector<32xbf16>
          %sub3A_357 = arith.subf %bitcast3A_355, %bitcast3A_356 : vector<32xbf16>
          %mul3A_358 = arith.mulf %sub3A_357, %sub3A_357 : vector<32xbf16>
          %unpack3A_359 = tpu.unpack_subelements %mul3A_358, 0 {pack_format = #tpu.pack_format<interleaved>} : vector<32xbf16> -> vector<16xf32>
          %unpack3A_360 = tpu.unpack_subelements %mul3A_358, 1 {pack_format = #tpu.pack_format<interleaved>} : vector<32xbf16> -> vector<16xf32>
          %add3A_361 = arith.addf %add3A_345, %unpack3A_359 : vector<16xf32>
          %add3A_362 = arith.addf %add3A_346, %unpack3A_360 : vector<16xf32>
          %add3A_363 = arith.constant 1 : i32
          %add3A_364 = vector.broadcast %add3A_363 : i32 to vector<16xi32>
          %add3A_365 = arith.addi %and3A_352, %add3A_364 : vector<16xi32>
          %and3A_366 = arith.constant 63 : i32
          %and3A_367 = vector.broadcast %and3A_366 : i32 to vector<16xi32>
          %and3A_368 = arith.andi %add3A_365, %and3A_367 : vector<16xi32>
          %gather3A_369 = tpu.vector_load_idx %arg12[%add3A_119, %and3A_368] : memref<80x64xi32, #tpu.memory_space<vmem>>[vector<16xi32>, vector<16xi32>], vector<16xi32>,
          %gather3A_370 = tpu.vector_load_idx %arg13[%add3A_119, %and3A_368] : memref<80x64xi32, #tpu.memory_space<vmem>>[vector<16xi32>, vector<16xi32>], vector<16xi32>,
          %bitcast3A_371 = vector.bitcast %gather3A_369 : vector<16xi32> to vector<32xbf16>
          %bitcast3A_372 = vector.bitcast %gather3A_370 : vector<16xi32> to vector<32xbf16>
          %sub3A_373 = arith.subf %bitcast3A_371, %bitcast3A_372 : vector<32xbf16>
          %mul3A_374 = arith.mulf %sub3A_373, %sub3A_373 : vector<32xbf16>
          %unpack3A_375 = tpu.unpack_subelements %mul3A_374, 0 {pack_format = #tpu.pack_format<interleaved>} : vector<32xbf16> -> vector<16xf32>
          %unpack3A_376 = tpu.unpack_subelements %mul3A_374, 1 {pack_format = #tpu.pack_format<interleaved>} : vector<32xbf16> -> vector<16xf32>
          %add3A_377 = arith.addf %add3A_361, %unpack3A_375 : vector<16xf32>
          %add3A_378 = arith.addf %add3A_362, %unpack3A_376 : vector<16xf32>
          %add3A_379 = arith.constant 1 : i32
          %add3A_380 = vector.broadcast %add3A_379 : i32 to vector<16xi32>
          %add3A_381 = arith.addi %and3A_368, %add3A_380 : vector<16xi32>
          %and3A_382 = arith.constant 63 : i32
          %and3A_383 = vector.broadcast %and3A_382 : i32 to vector<16xi32>
          %and3A_384 = arith.andi %add3A_381, %and3A_383 : vector<16xi32>
          %gather3A_385 = tpu.vector_load_idx %arg12[%add3A_119, %and3A_384] : memref<80x64xi32, #tpu.memory_space<vmem>>[vector<16xi32>, vector<16xi32>], vector<16xi32>,
          %gather3A_386 = tpu.vector_load_idx %arg13[%add3A_119, %and3A_384] : memref<80x64xi32, #tpu.memory_space<vmem>>[vector<16xi32>, vector<16xi32>], vector<16xi32>,
          %bitcast3A_387 = vector.bitcast %gather3A_385 : vector<16xi32> to vector<32xbf16>
          %bitcast3A_388 = vector.bitcast %gather3A_386 : vector<16xi32> to vector<32xbf16>
          %sub3A_389 = arith.subf %bitcast3A_387, %bitcast3A_388 : vector<32xbf16>
          %mul3A_390 = arith.mulf %sub3A_389, %sub3A_389 : vector<32xbf16>
          %unpack3A_391 = tpu.unpack_subelements %mul3A_390, 0 {pack_format = #tpu.pack_format<interleaved>} : vector<32xbf16> -> vector<16xf32>
          %unpack3A_392 = tpu.unpack_subelements %mul3A_390, 1 {pack_format = #tpu.pack_format<interleaved>} : vector<32xbf16> -> vector<16xf32>
          %add3A_393 = arith.addf %add3A_377, %unpack3A_391 : vector<16xf32>
          %add3A_394 = arith.addf %add3A_378, %unpack3A_392 : vector<16xf32>
          %add3A_395 = arith.constant 1 : i32
          %add3A_396 = vector.broadcast %add3A_395 : i32 to vector<16xi32>
          %add3A_397 = arith.addi %and3A_384, %add3A_396 : vector<16xi32>
          %and3A_398 = arith.constant 63 : i32
          %and3A_399 = vector.broadcast %and3A_398 : i32 to vector<16xi32>
          %and3A_400 = arith.andi %add3A_397, %and3A_399 : vector<16xi32>
          scf.yield %add3A_393, %add3A_394, %and3A_400 : vector<16xf32>, vector<16xf32>, vector<16xi32>
        }
        %scan3A_129 = arith.constant 4 : i32
        %add3A_130 = arith.addf %scan3A_128#0, %scan3A_128#1 : vector<16xf32>
        %mul3A_131 = arith.constant -7.812500e-03 : f32
        %mul3A_132 = vector.broadcast %mul3A_131 : f32 to vector<16xf32>
        %mul3A_133 = arith.mulf %add3A_130, %mul3A_132 : vector<16xf32>
        %exp3A = math.exp %mul3A_133 : vector<16xf32>
        %mul3A_134 = arith.constant 80 : i32
        %mul3A_135 = arith.muli %add3A_107, %mul3A_134 : i32
        %mul3A_136 = arith.constant 16 : i32
        %mul3A_137 = arith.muli %scan3A_114, %mul3A_136 : i32
        %add3A_138 = arith.addi %mul3A_135, %mul3A_137 : i32
        %get3A = arith.index_cast %add3A_138 : i32 to index
        %get3A_139 = tpu.vector_load %arg9[%get3A] {strides = array<i32>} : memref<10000xf32, #tpu.memory_space<vmem>>, vector<16xf32>,
        %sub3A = arith.subf %get3A_139, %exp3A : vector<16xf32>
        %mul3A_140 = arith.constant 5.000000e-01 : f32
        %mul3A_141 = vector.broadcast %mul3A_140 : f32 to vector<16xf32>
        %mul3A_142 = arith.mulf %mul3A_141, %sub3A : vector<16xf32>
        %mul3A_143 = arith.mulf %mul3A_142, %sub3A : vector<16xf32>
        %add3A_144 = arith.addf %scan3A_115, %mul3A_143 : vector<16xf32>
        scf.yield %add3A_144 : vector<16xf32>
      }
      %scan3A_113 = arith.constant 5 : i32
      scf.yield %scan3A_112 : vector<16xf32>
    }
    %scan3A_21 = arith.constant 62 : i32
    %dma_wait3A = arith.constant 124 : i32
    %dma_wait3A_22 = arith.constant 0 : i32
    %dma_wait3A_23 = tpu.memref_slice %arg7[%dma_wait3A, %dma_wait3A_22] : memref<125x80xi32, #tpu.memory_space<vmem>> -> memref<1x80xi32, #tpu.memory_space<vmem>>
    %dma_wait3A_24 = tpu.memref_squeeze %dma_wait3A_23 : memref<1x80xi32, #tpu.memory_space<vmem>> -> memref<80xi32, #tpu.memory_space<vmem>>
    %dma_wait3A_25 = arith.constant 0 : i32
    %dma_wait3A_26 = arith.constant 0 : i32
    %dma_wait3A_27 = tpu.memref_slice %arg15[%dma_wait3A_25, %dma_wait3A_26] : memref<10000x64xi32, #tpu.memory_space<vmem_shared>> -> memref<10000x64xi32, #tpu.memory_space<vmem_shared>>
    tpu.wait_indirect_dma semaphore(%arg16 : memref<!tpu.dma_semaphore, #tpu.memory_space<semaphore_mem>>) src(%dma_wait3A_27 : memref<10000x64xi32, #tpu.memory_space<vmem_shared>>) dst(%arg10 : memref<80x64xi32, #tpu.memory_space<vmem>>)
    %dma_wait3A_28 = arith.constant 124 : i32
    %dma_wait3A_29 = arith.constant 0 : i32
    %dma_wait3A_30 = tpu.memref_slice %arg8[%dma_wait3A_28, %dma_wait3A_29] : memref<125x80xi32, #tpu.memory_space<vmem>> -> memref<1x80xi32, #tpu.memory_space<vmem>>
    %dma_wait3A_31 = tpu.memref_squeeze %dma_wait3A_30 : memref<1x80xi32, #tpu.memory_space<vmem>> -> memref<80xi32, #tpu.memory_space<vmem>>
    %dma_wait3A_32 = arith.constant 0 : i32
    %dma_wait3A_33 = arith.constant 0 : i32
    %dma_wait3A_34 = tpu.memref_slice %arg15[%dma_wait3A_32, %dma_wait3A_33] : memref<10000x64xi32, #tpu.memory_space<vmem_shared>> -> memref<10000x64xi32, #tpu.memory_space<vmem_shared>>
    tpu.wait_indirect_dma semaphore(%arg17 : memref<!tpu.dma_semaphore, #tpu.memory_space<semaphore_mem>>) src(%dma_wait3A_34 : memref<10000x64xi32, #tpu.memory_space<vmem_shared>>) dst(%arg11 : memref<80x64xi32, #tpu.memory_space<vmem>>)
    %scan3A_35 = arith.constant 0 : i32
    %scan3A_36 = arith.constant 5 : i32
    %scan3A_37 = arith.addi %scan3A_35, %scan3A_36 : i32
    %scan3A_38 = arith.constant 1 : i32
    %scan3A_39 = scf.for %scan3A_42 = %scan3A_35 to %scan3A_37 step %scan3A_38 iter_args(%scan3A_43 = %scan3A_20) -> (vector<16xf32>)  : i32 {
      %mul3A_44 = arith.constant 16 : i32
      %mul3A_45 = arith.muli %scan3A_42, %mul3A_44 : i32
      %add3A_46 = vector.broadcast %mul3A_45 : i32 to vector<16xi32>
      %add3A_47 = arith.addi %add3A_46, %iota3A : vector<16xi32>
      %broadcast_in_dim3A_48 = arith.constant 0.000000e+00 : f32
      %broadcast_in_dim3A_49 = vector.broadcast %broadcast_in_dim3A_48 : f32 to vector<16xf32>
      %broadcast_in_dim3A_50 = arith.constant 0.000000e+00 : f32
      %broadcast_in_dim3A_51 = vector.broadcast %broadcast_in_dim3A_50 : f32 to vector<16xf32>
      %scan3A_52 = arith.constant 0 : i32
      %scan3A_53 = arith.constant 4 : i32
      %scan3A_54 = arith.addi %scan3A_52, %scan3A_53 : i32
      %scan3A_55 = arith.constant 1 : i32
      %scan3A_56:3 = scf.for %scan3A_72 = %scan3A_52 to %scan3A_54 step %scan3A_55 iter_args(%scan3A_73 = %broadcast_in_dim3A_49, %scan3A_74 = %broadcast_in_dim3A_51, %scan3A_75 = %iota3A) -> (vector<16xf32>, vector<16xf32>, vector<16xi32>)  : i32 {
        %gather3A = tpu.vector_load_idx %arg10[%add3A_47, %scan3A_75] : memref<80x64xi32, #tpu.memory_space<vmem>>[vector<16xi32>, vector<16xi32>], vector<16xi32>,
        %gather3A_76 = tpu.vector_load_idx %arg11[%add3A_47, %scan3A_75] : memref<80x64xi32, #tpu.memory_space<vmem>>[vector<16xi32>, vector<16xi32>], vector<16xi32>,
        %bitcast3A = vector.bitcast %gather3A : vector<16xi32> to vector<32xbf16>
        %bitcast3A_77 = vector.bitcast %gather3A_76 : vector<16xi32> to vector<32xbf16>
        %sub3A_78 = arith.subf %bitcast3A, %bitcast3A_77 : vector<32xbf16>
        %mul3A_79 = arith.mulf %sub3A_78, %sub3A_78 : vector<32xbf16>
        %unpack3A = tpu.unpack_subelements %mul3A_79, 0 {pack_format = #tpu.pack_format<interleaved>} : vector<32xbf16> -> vector<16xf32>
        %unpack3A_80 = tpu.unpack_subelements %mul3A_79, 1 {pack_format = #tpu.pack_format<interleaved>} : vector<32xbf16> -> vector<16xf32>
        %add3A_81 = arith.addf %scan3A_73, %unpack3A : vector<16xf32>
        %add3A_82 = arith.addf %scan3A_74, %unpack3A_80 : vector<16xf32>
        %add3A_83 = arith.constant 1 : i32
        %add3A_84 = vector.broadcast %add3A_83 : i32 to vector<16xi32>
        %add3A_85 = arith.addi %scan3A_75, %add3A_84 : vector<16xi32>
        %and3A = arith.constant 63 : i32
        %and3A_86 = vector.broadcast %and3A : i32 to vector<16xi32>
        %and3A_87 = arith.andi %add3A_85, %and3A_86 : vector<16xi32>
        %gather3A_88 = tpu.vector_load_idx %arg10[%add3A_47, %and3A_87] : memref<80x64xi32, #tpu.memory_space<vmem>>[vector<16xi32>, vector<16xi32>], vector<16xi32>,
        %gather3A_89 = tpu.vector_load_idx %arg11[%add3A_47, %and3A_87] : memref<80x64xi32, #tpu.memory_space<vmem>>[vector<16xi32>, vector<16xi32>], vector<16xi32>,
        %bitcast3A_90 = vector.bitcast %gather3A_88 : vector<16xi32> to vector<32xbf16>
        %bitcast3A_91 = vector.bitcast %gather3A_89 : vector<16xi32> to vector<32xbf16>
        %sub3A_92 = arith.subf %bitcast3A_90, %bitcast3A_91 : vector<32xbf16>
        %mul3A_93 = arith.mulf %sub3A_92, %sub3A_92 : vector<32xbf16>
        %unpack3A_94 = tpu.unpack_subelements %mul3A_93, 0 {pack_format = #tpu.pack_format<interleaved>} : vector<32xbf16> -> vector<16xf32>
        %unpack3A_95 = tpu.unpack_subelements %mul3A_93, 1 {pack_format = #tpu.pack_format<interleaved>} : vector<32xbf16> -> vector<16xf32>
        %add3A_96 = arith.addf %add3A_81, %unpack3A_94 : vector<16xf32>
        %add3A_97 = arith.addf %add3A_82, %unpack3A_95 : vector<16xf32>
        %add3A_98 = arith.constant 1 : i32
        %add3A_99 = vector.broadcast %add3A_98 : i32 to vector<16xi32>
        %add3A_100 = arith.addi %and3A_87, %add3A_99 : vector<16xi32>
        %and3A_101 = arith.constant 63 : i32
        %and3A_102 = vector.broadcast %and3A_101 : i32 to vector<16xi32>
        %and3A_103 = arith.andi %add3A_100, %and3A_102 : vector<16xi32>
        %gather3A_104 = tpu.vector_load_idx %arg10[%add3A_47, %and3A_103] : memref<80x64xi32, #tpu.memory_space<vmem>>[vector<16xi32>, vector<16xi32>], vector<16xi32>,
        %gather3A_105 = tpu.vector_load_idx %arg11[%add3A_47, %and3A_103] : memref<80x64xi32, #tpu.memory_space<vmem>>[vector<16xi32>, vector<16xi32>], vector<16xi32>,
        %bitcast3A_106 = vector.bitcast %gather3A_104 : vector<16xi32> to vector<32xbf16>
        %bitcast3A_107 = vector.bitcast %gather3A_105 : vector<16xi32> to vector<32xbf16>
        %sub3A_108 = arith.subf %bitcast3A_106, %bitcast3A_107 : vector<32xbf16>
        %mul3A_109 = arith.mulf %sub3A_108, %sub3A_108 : vector<32xbf16>
        %unpack3A_110 = tpu.unpack_subelements %mul3A_109, 0 {pack_format = #tpu.pack_format<interleaved>} : vector<32xbf16> -> vector<16xf32>
        %unpack3A_111 = tpu.unpack_subelements %mul3A_109, 1 {pack_format = #tpu.pack_format<interleaved>} : vector<32xbf16> -> vector<16xf32>
        %add3A_112 = arith.addf %add3A_96, %unpack3A_110 : vector<16xf32>
        %add3A_113 = arith.addf %add3A_97, %unpack3A_111 : vector<16xf32>
        %add3A_114 = arith.constant 1 : i32
        %add3A_115 = vector.broadcast %add3A_114 : i32 to vector<16xi32>
        %add3A_116 = arith.addi %and3A_103, %add3A_115 : vector<16xi32>
        %and3A_117 = arith.constant 63 : i32
        %and3A_118 = vector.broadcast %and3A_117 : i32 to vector<16xi32>
        %and3A_119 = arith.andi %add3A_116, %and3A_118 : vector<16xi32>
        %gather3A_120 = tpu.vector_load_idx %arg10[%add3A_47, %and3A_119] : memref<80x64xi32, #tpu.memory_space<vmem>>[vector<16xi32>, vector<16xi32>], vector<16xi32>,
        %gather3A_121 = tpu.vector_load_idx %arg11[%add3A_47, %and3A_119] : memref<80x64xi32, #tpu.memory_space<vmem>>[vector<16xi32>, vector<16xi32>], vector<16xi32>,
        %bitcast3A_122 = vector.bitcast %gather3A_120 : vector<16xi32> to vector<32xbf16>
        %bitcast3A_123 = vector.bitcast %gather3A_121 : vector<16xi32> to vector<32xbf16>
        %sub3A_124 = arith.subf %bitcast3A_122, %bitcast3A_123 : vector<32xbf16>
        %mul3A_125 = arith.mulf %sub3A_124, %sub3A_124 : vector<32xbf16>
        %unpack3A_126 = tpu.unpack_subelements %mul3A_125, 0 {pack_format = #tpu.pack_format<interleaved>} : vector<32xbf16> -> vector<16xf32>
        %unpack3A_127 = tpu.unpack_subelements %mul3A_125, 1 {pack_format = #tpu.pack_format<interleaved>} : vector<32xbf16> -> vector<16xf32>
        %add3A_128 = arith.addf %add3A_112, %unpack3A_126 : vector<16xf32>
        %add3A_129 = arith.addf %add3A_113, %unpack3A_127 : vector<16xf32>
        %add3A_130 = arith.constant 1 : i32
        %add3A_131 = vector.broadcast %add3A_130 : i32 to vector<16xi32>
        %add3A_132 = arith.addi %and3A_119, %add3A_131 : vector<16xi32>
        %and3A_133 = arith.constant 63 : i32
        %and3A_134 = vector.broadcast %and3A_133 : i32 to vector<16xi32>
        %and3A_135 = arith.andi %add3A_132, %and3A_134 : vector<16xi32>
        %gather3A_136 = tpu.vector_load_idx %arg10[%add3A_47, %and3A_135] : memref<80x64xi32, #tpu.memory_space<vmem>>[vector<16xi32>, vector<16xi32>], vector<16xi32>,
        %gather3A_137 = tpu.vector_load_idx %arg11[%add3A_47, %and3A_135] : memref<80x64xi32, #tpu.memory_space<vmem>>[vector<16xi32>, vector<16xi32>], vector<16xi32>,
        %bitcast3A_138 = vector.bitcast %gather3A_136 : vector<16xi32> to vector<32xbf16>
        %bitcast3A_139 = vector.bitcast %gather3A_137 : vector<16xi32> to vector<32xbf16>
        %sub3A_140 = arith.subf %bitcast3A_138, %bitcast3A_139 : vector<32xbf16>
        %mul3A_141 = arith.mulf %sub3A_140, %sub3A_140 : vector<32xbf16>
        %unpack3A_142 = tpu.unpack_subelements %mul3A_141, 0 {pack_format = #tpu.pack_format<interleaved>} : vector<32xbf16> -> vector<16xf32>
        %unpack3A_143 = tpu.unpack_subelements %mul3A_141, 1 {pack_format = #tpu.pack_format<interleaved>} : vector<32xbf16> -> vector<16xf32>
        %add3A_144 = arith.addf %add3A_128, %unpack3A_142 : vector<16xf32>
        %add3A_145 = arith.addf %add3A_129, %unpack3A_143 : vector<16xf32>
        %add3A_146 = arith.constant 1 : i32
        %add3A_147 = vector.broadcast %add3A_146 : i32 to vector<16xi32>
        %add3A_148 = arith.addi %and3A_135, %add3A_147 : vector<16xi32>
        %and3A_149 = arith.constant 63 : i32
        %and3A_150 = vector.broadcast %and3A_149 : i32 to vector<16xi32>
        %and3A_151 = arith.andi %add3A_148, %and3A_150 : vector<16xi32>
        %gather3A_152 = tpu.vector_load_idx %arg10[%add3A_47, %and3A_151] : memref<80x64xi32, #tpu.memory_space<vmem>>[vector<16xi32>, vector<16xi32>], vector<16xi32>,
        %gather3A_153 = tpu.vector_load_idx %arg11[%add3A_47, %and3A_151] : memref<80x64xi32, #tpu.memory_space<vmem>>[vector<16xi32>, vector<16xi32>], vector<16xi32>,
        %bitcast3A_154 = vector.bitcast %gather3A_152 : vector<16xi32> to vector<32xbf16>
        %bitcast3A_155 = vector.bitcast %gather3A_153 : vector<16xi32> to vector<32xbf16>
        %sub3A_156 = arith.subf %bitcast3A_154, %bitcast3A_155 : vector<32xbf16>
        %mul3A_157 = arith.mulf %sub3A_156, %sub3A_156 : vector<32xbf16>
        %unpack3A_158 = tpu.unpack_subelements %mul3A_157, 0 {pack_format = #tpu.pack_format<interleaved>} : vector<32xbf16> -> vector<16xf32>
        %unpack3A_159 = tpu.unpack_subelements %mul3A_157, 1 {pack_format = #tpu.pack_format<interleaved>} : vector<32xbf16> -> vector<16xf32>
        %add3A_160 = arith.addf %add3A_144, %unpack3A_158 : vector<16xf32>
        %add3A_161 = arith.addf %add3A_145, %unpack3A_159 : vector<16xf32>
        %add3A_162 = arith.constant 1 : i32
        %add3A_163 = vector.broadcast %add3A_162 : i32 to vector<16xi32>
        %add3A_164 = arith.addi %and3A_151, %add3A_163 : vector<16xi32>
        %and3A_165 = arith.constant 63 : i32
        %and3A_166 = vector.broadcast %and3A_165 : i32 to vector<16xi32>
        %and3A_167 = arith.andi %add3A_164, %and3A_166 : vector<16xi32>
        %gather3A_168 = tpu.vector_load_idx %arg10[%add3A_47, %and3A_167] : memref<80x64xi32, #tpu.memory_space<vmem>>[vector<16xi32>, vector<16xi32>], vector<16xi32>,
        %gather3A_169 = tpu.vector_load_idx %arg11[%add3A_47, %and3A_167] : memref<80x64xi32, #tpu.memory_space<vmem>>[vector<16xi32>, vector<16xi32>], vector<16xi32>,
        %bitcast3A_170 = vector.bitcast %gather3A_168 : vector<16xi32> to vector<32xbf16>
        %bitcast3A_171 = vector.bitcast %gather3A_169 : vector<16xi32> to vector<32xbf16>
        %sub3A_172 = arith.subf %bitcast3A_170, %bitcast3A_171 : vector<32xbf16>
        %mul3A_173 = arith.mulf %sub3A_172, %sub3A_172 : vector<32xbf16>
        %unpack3A_174 = tpu.unpack_subelements %mul3A_173, 0 {pack_format = #tpu.pack_format<interleaved>} : vector<32xbf16> -> vector<16xf32>
        %unpack3A_175 = tpu.unpack_subelements %mul3A_173, 1 {pack_format = #tpu.pack_format<interleaved>} : vector<32xbf16> -> vector<16xf32>
        %add3A_176 = arith.addf %add3A_160, %unpack3A_174 : vector<16xf32>
        %add3A_177 = arith.addf %add3A_161, %unpack3A_175 : vector<16xf32>
        %add3A_178 = arith.constant 1 : i32
        %add3A_179 = vector.broadcast %add3A_178 : i32 to vector<16xi32>
        %add3A_180 = arith.addi %and3A_167, %add3A_179 : vector<16xi32>
        %and3A_181 = arith.constant 63 : i32
        %and3A_182 = vector.broadcast %and3A_181 : i32 to vector<16xi32>
        %and3A_183 = arith.andi %add3A_180, %and3A_182 : vector<16xi32>
        %gather3A_184 = tpu.vector_load_idx %arg10[%add3A_47, %and3A_183] : memref<80x64xi32, #tpu.memory_space<vmem>>[vector<16xi32>, vector<16xi32>], vector<16xi32>,
        %gather3A_185 = tpu.vector_load_idx %arg11[%add3A_47, %and3A_183] : memref<80x64xi32, #tpu.memory_space<vmem>>[vector<16xi32>, vector<16xi32>], vector<16xi32>,
        %bitcast3A_186 = vector.bitcast %gather3A_184 : vector<16xi32> to vector<32xbf16>
        %bitcast3A_187 = vector.bitcast %gather3A_185 : vector<16xi32> to vector<32xbf16>
        %sub3A_188 = arith.subf %bitcast3A_186, %bitcast3A_187 : vector<32xbf16>
        %mul3A_189 = arith.mulf %sub3A_188, %sub3A_188 : vector<32xbf16>
        %unpack3A_190 = tpu.unpack_subelements %mul3A_189, 0 {pack_format = #tpu.pack_format<interleaved>} : vector<32xbf16> -> vector<16xf32>
        %unpack3A_191 = tpu.unpack_subelements %mul3A_189, 1 {pack_format = #tpu.pack_format<interleaved>} : vector<32xbf16> -> vector<16xf32>
        %add3A_192 = arith.addf %add3A_176, %unpack3A_190 : vector<16xf32>
        %add3A_193 = arith.addf %add3A_177, %unpack3A_191 : vector<16xf32>
        %add3A_194 = arith.constant 1 : i32
        %add3A_195 = vector.broadcast %add3A_194 : i32 to vector<16xi32>
        %add3A_196 = arith.addi %and3A_183, %add3A_195 : vector<16xi32>
        %and3A_197 = arith.constant 63 : i32
        %and3A_198 = vector.broadcast %and3A_197 : i32 to vector<16xi32>
        %and3A_199 = arith.andi %add3A_196, %and3A_198 : vector<16xi32>
        %gather3A_200 = tpu.vector_load_idx %arg10[%add3A_47, %and3A_199] : memref<80x64xi32, #tpu.memory_space<vmem>>[vector<16xi32>, vector<16xi32>], vector<16xi32>,
        %gather3A_201 = tpu.vector_load_idx %arg11[%add3A_47, %and3A_199] : memref<80x64xi32, #tpu.memory_space<vmem>>[vector<16xi32>, vector<16xi32>], vector<16xi32>,
        %bitcast3A_202 = vector.bitcast %gather3A_200 : vector<16xi32> to vector<32xbf16>
        %bitcast3A_203 = vector.bitcast %gather3A_201 : vector<16xi32> to vector<32xbf16>
        %sub3A_204 = arith.subf %bitcast3A_202, %bitcast3A_203 : vector<32xbf16>
        %mul3A_205 = arith.mulf %sub3A_204, %sub3A_204 : vector<32xbf16>
        %unpack3A_206 = tpu.unpack_subelements %mul3A_205, 0 {pack_format = #tpu.pack_format<interleaved>} : vector<32xbf16> -> vector<16xf32>
        %unpack3A_207 = tpu.unpack_subelements %mul3A_205, 1 {pack_format = #tpu.pack_format<interleaved>} : vector<32xbf16> -> vector<16xf32>
        %add3A_208 = arith.addf %add3A_192, %unpack3A_206 : vector<16xf32>
        %add3A_209 = arith.addf %add3A_193, %unpack3A_207 : vector<16xf32>
        %add3A_210 = arith.constant 1 : i32
        %add3A_211 = vector.broadcast %add3A_210 : i32 to vector<16xi32>
        %add3A_212 = arith.addi %and3A_199, %add3A_211 : vector<16xi32>
        %and3A_213 = arith.constant 63 : i32
        %and3A_214 = vector.broadcast %and3A_213 : i32 to vector<16xi32>
        %and3A_215 = arith.andi %add3A_212, %and3A_214 : vector<16xi32>
        %gather3A_216 = tpu.vector_load_idx %arg10[%add3A_47, %and3A_215] : memref<80x64xi32, #tpu.memory_space<vmem>>[vector<16xi32>, vector<16xi32>], vector<16xi32>,
        %gather3A_217 = tpu.vector_load_idx %arg11[%add3A_47, %and3A_215] : memref<80x64xi32, #tpu.memory_space<vmem>>[vector<16xi32>, vector<16xi32>], vector<16xi32>,
        %bitcast3A_218 = vector.bitcast %gather3A_216 : vector<16xi32> to vector<32xbf16>
        %bitcast3A_219 = vector.bitcast %gather3A_217 : vector<16xi32> to vector<32xbf16>
        %sub3A_220 = arith.subf %bitcast3A_218, %bitcast3A_219 : vector<32xbf16>
        %mul3A_221 = arith.mulf %sub3A_220, %sub3A_220 : vector<32xbf16>
        %unpack3A_222 = tpu.unpack_subelements %mul3A_221, 0 {pack_format = #tpu.pack_format<interleaved>} : vector<32xbf16> -> vector<16xf32>
        %unpack3A_223 = tpu.unpack_subelements %mul3A_221, 1 {pack_format = #tpu.pack_format<interleaved>} : vector<32xbf16> -> vector<16xf32>
        %add3A_224 = arith.addf %add3A_208, %unpack3A_222 : vector<16xf32>
        %add3A_225 = arith.addf %add3A_209, %unpack3A_223 : vector<16xf32>
        %add3A_226 = arith.constant 1 : i32
        %add3A_227 = vector.broadcast %add3A_226 : i32 to vector<16xi32>
        %add3A_228 = arith.addi %and3A_215, %add3A_227 : vector<16xi32>
        %and3A_229 = arith.constant 63 : i32
        %and3A_230 = vector.broadcast %and3A_229 : i32 to vector<16xi32>
        %and3A_231 = arith.andi %add3A_228, %and3A_230 : vector<16xi32>
        %gather3A_232 = tpu.vector_load_idx %arg10[%add3A_47, %and3A_231] : memref<80x64xi32, #tpu.memory_space<vmem>>[vector<16xi32>, vector<16xi32>], vector<16xi32>,
        %gather3A_233 = tpu.vector_load_idx %arg11[%add3A_47, %and3A_231] : memref<80x64xi32, #tpu.memory_space<vmem>>[vector<16xi32>, vector<16xi32>], vector<16xi32>,
        %bitcast3A_234 = vector.bitcast %gather3A_232 : vector<16xi32> to vector<32xbf16>
        %bitcast3A_235 = vector.bitcast %gather3A_233 : vector<16xi32> to vector<32xbf16>
        %sub3A_236 = arith.subf %bitcast3A_234, %bitcast3A_235 : vector<32xbf16>
        %mul3A_237 = arith.mulf %sub3A_236, %sub3A_236 : vector<32xbf16>
        %unpack3A_238 = tpu.unpack_subelements %mul3A_237, 0 {pack_format = #tpu.pack_format<interleaved>} : vector<32xbf16> -> vector<16xf32>
        %unpack3A_239 = tpu.unpack_subelements %mul3A_237, 1 {pack_format = #tpu.pack_format<interleaved>} : vector<32xbf16> -> vector<16xf32>
        %add3A_240 = arith.addf %add3A_224, %unpack3A_238 : vector<16xf32>
        %add3A_241 = arith.addf %add3A_225, %unpack3A_239 : vector<16xf32>
        %add3A_242 = arith.constant 1 : i32
        %add3A_243 = vector.broadcast %add3A_242 : i32 to vector<16xi32>
        %add3A_244 = arith.addi %and3A_231, %add3A_243 : vector<16xi32>
        %and3A_245 = arith.constant 63 : i32
        %and3A_246 = vector.broadcast %and3A_245 : i32 to vector<16xi32>
        %and3A_247 = arith.andi %add3A_244, %and3A_246 : vector<16xi32>
        %gather3A_248 = tpu.vector_load_idx %arg10[%add3A_47, %and3A_247] : memref<80x64xi32, #tpu.memory_space<vmem>>[vector<16xi32>, vector<16xi32>], vector<16xi32>,
        %gather3A_249 = tpu.vector_load_idx %arg11[%add3A_47, %and3A_247] : memref<80x64xi32, #tpu.memory_space<vmem>>[vector<16xi32>, vector<16xi32>], vector<16xi32>,
        %bitcast3A_250 = vector.bitcast %gather3A_248 : vector<16xi32> to vector<32xbf16>
        %bitcast3A_251 = vector.bitcast %gather3A_249 : vector<16xi32> to vector<32xbf16>
        %sub3A_252 = arith.subf %bitcast3A_250, %bitcast3A_251 : vector<32xbf16>
        %mul3A_253 = arith.mulf %sub3A_252, %sub3A_252 : vector<32xbf16>
        %unpack3A_254 = tpu.unpack_subelements %mul3A_253, 0 {pack_format = #tpu.pack_format<interleaved>} : vector<32xbf16> -> vector<16xf32>
        %unpack3A_255 = tpu.unpack_subelements %mul3A_253, 1 {pack_format = #tpu.pack_format<interleaved>} : vector<32xbf16> -> vector<16xf32>
        %add3A_256 = arith.addf %add3A_240, %unpack3A_254 : vector<16xf32>
        %add3A_257 = arith.addf %add3A_241, %unpack3A_255 : vector<16xf32>
        %add3A_258 = arith.constant 1 : i32
        %add3A_259 = vector.broadcast %add3A_258 : i32 to vector<16xi32>
        %add3A_260 = arith.addi %and3A_247, %add3A_259 : vector<16xi32>
        %and3A_261 = arith.constant 63 : i32
        %and3A_262 = vector.broadcast %and3A_261 : i32 to vector<16xi32>
        %and3A_263 = arith.andi %add3A_260, %and3A_262 : vector<16xi32>
        %gather3A_264 = tpu.vector_load_idx %arg10[%add3A_47, %and3A_263] : memref<80x64xi32, #tpu.memory_space<vmem>>[vector<16xi32>, vector<16xi32>], vector<16xi32>,
        %gather3A_265 = tpu.vector_load_idx %arg11[%add3A_47, %and3A_263] : memref<80x64xi32, #tpu.memory_space<vmem>>[vector<16xi32>, vector<16xi32>], vector<16xi32>,
        %bitcast3A_266 = vector.bitcast %gather3A_264 : vector<16xi32> to vector<32xbf16>
        %bitcast3A_267 = vector.bitcast %gather3A_265 : vector<16xi32> to vector<32xbf16>
        %sub3A_268 = arith.subf %bitcast3A_266, %bitcast3A_267 : vector<32xbf16>
        %mul3A_269 = arith.mulf %sub3A_268, %sub3A_268 : vector<32xbf16>
        %unpack3A_270 = tpu.unpack_subelements %mul3A_269, 0 {pack_format = #tpu.pack_format<interleaved>} : vector<32xbf16> -> vector<16xf32>
        %unpack3A_271 = tpu.unpack_subelements %mul3A_269, 1 {pack_format = #tpu.pack_format<interleaved>} : vector<32xbf16> -> vector<16xf32>
        %add3A_272 = arith.addf %add3A_256, %unpack3A_270 : vector<16xf32>
        %add3A_273 = arith.addf %add3A_257, %unpack3A_271 : vector<16xf32>
        %add3A_274 = arith.constant 1 : i32
        %add3A_275 = vector.broadcast %add3A_274 : i32 to vector<16xi32>
        %add3A_276 = arith.addi %and3A_263, %add3A_275 : vector<16xi32>
        %and3A_277 = arith.constant 63 : i32
        %and3A_278 = vector.broadcast %and3A_277 : i32 to vector<16xi32>
        %and3A_279 = arith.andi %add3A_276, %and3A_278 : vector<16xi32>
        %gather3A_280 = tpu.vector_load_idx %arg10[%add3A_47, %and3A_279] : memref<80x64xi32, #tpu.memory_space<vmem>>[vector<16xi32>, vector<16xi32>], vector<16xi32>,
        %gather3A_281 = tpu.vector_load_idx %arg11[%add3A_47, %and3A_279] : memref<80x64xi32, #tpu.memory_space<vmem>>[vector<16xi32>, vector<16xi32>], vector<16xi32>,
        %bitcast3A_282 = vector.bitcast %gather3A_280 : vector<16xi32> to vector<32xbf16>
        %bitcast3A_283 = vector.bitcast %gather3A_281 : vector<16xi32> to vector<32xbf16>
        %sub3A_284 = arith.subf %bitcast3A_282, %bitcast3A_283 : vector<32xbf16>
        %mul3A_285 = arith.mulf %sub3A_284, %sub3A_284 : vector<32xbf16>
        %unpack3A_286 = tpu.unpack_subelements %mul3A_285, 0 {pack_format = #tpu.pack_format<interleaved>} : vector<32xbf16> -> vector<16xf32>
        %unpack3A_287 = tpu.unpack_subelements %mul3A_285, 1 {pack_format = #tpu.pack_format<interleaved>} : vector<32xbf16> -> vector<16xf32>
        %add3A_288 = arith.addf %add3A_272, %unpack3A_286 : vector<16xf32>
        %add3A_289 = arith.addf %add3A_273, %unpack3A_287 : vector<16xf32>
        %add3A_290 = arith.constant 1 : i32
        %add3A_291 = vector.broadcast %add3A_290 : i32 to vector<16xi32>
        %add3A_292 = arith.addi %and3A_279, %add3A_291 : vector<16xi32>
        %and3A_293 = arith.constant 63 : i32
        %and3A_294 = vector.broadcast %and3A_293 : i32 to vector<16xi32>
        %and3A_295 = arith.andi %add3A_292, %and3A_294 : vector<16xi32>
        %gather3A_296 = tpu.vector_load_idx %arg10[%add3A_47, %and3A_295] : memref<80x64xi32, #tpu.memory_space<vmem>>[vector<16xi32>, vector<16xi32>], vector<16xi32>,
        %gather3A_297 = tpu.vector_load_idx %arg11[%add3A_47, %and3A_295] : memref<80x64xi32, #tpu.memory_space<vmem>>[vector<16xi32>, vector<16xi32>], vector<16xi32>,
        %bitcast3A_298 = vector.bitcast %gather3A_296 : vector<16xi32> to vector<32xbf16>
        %bitcast3A_299 = vector.bitcast %gather3A_297 : vector<16xi32> to vector<32xbf16>
        %sub3A_300 = arith.subf %bitcast3A_298, %bitcast3A_299 : vector<32xbf16>
        %mul3A_301 = arith.mulf %sub3A_300, %sub3A_300 : vector<32xbf16>
        %unpack3A_302 = tpu.unpack_subelements %mul3A_301, 0 {pack_format = #tpu.pack_format<interleaved>} : vector<32xbf16> -> vector<16xf32>
        %unpack3A_303 = tpu.unpack_subelements %mul3A_301, 1 {pack_format = #tpu.pack_format<interleaved>} : vector<32xbf16> -> vector<16xf32>
        %add3A_304 = arith.addf %add3A_288, %unpack3A_302 : vector<16xf32>
        %add3A_305 = arith.addf %add3A_289, %unpack3A_303 : vector<16xf32>
        %add3A_306 = arith.constant 1 : i32
        %add3A_307 = vector.broadcast %add3A_306 : i32 to vector<16xi32>
        %add3A_308 = arith.addi %and3A_295, %add3A_307 : vector<16xi32>
        %and3A_309 = arith.constant 63 : i32
        %and3A_310 = vector.broadcast %and3A_309 : i32 to vector<16xi32>
        %and3A_311 = arith.andi %add3A_308, %and3A_310 : vector<16xi32>
        %gather3A_312 = tpu.vector_load_idx %arg10[%add3A_47, %and3A_311] : memref<80x64xi32, #tpu.memory_space<vmem>>[vector<16xi32>, vector<16xi32>], vector<16xi32>,
        %gather3A_313 = tpu.vector_load_idx %arg11[%add3A_47, %and3A_311] : memref<80x64xi32, #tpu.memory_space<vmem>>[vector<16xi32>, vector<16xi32>], vector<16xi32>,
        %bitcast3A_314 = vector.bitcast %gather3A_312 : vector<16xi32> to vector<32xbf16>
        %bitcast3A_315 = vector.bitcast %gather3A_313 : vector<16xi32> to vector<32xbf16>
        %sub3A_316 = arith.subf %bitcast3A_314, %bitcast3A_315 : vector<32xbf16>
        %mul3A_317 = arith.mulf %sub3A_316, %sub3A_316 : vector<32xbf16>
        %unpack3A_318 = tpu.unpack_subelements %mul3A_317, 0 {pack_format = #tpu.pack_format<interleaved>} : vector<32xbf16> -> vector<16xf32>
        %unpack3A_319 = tpu.unpack_subelements %mul3A_317, 1 {pack_format = #tpu.pack_format<interleaved>} : vector<32xbf16> -> vector<16xf32>
        %add3A_320 = arith.addf %add3A_304, %unpack3A_318 : vector<16xf32>
        %add3A_321 = arith.addf %add3A_305, %unpack3A_319 : vector<16xf32>
        %add3A_322 = arith.constant 1 : i32
        %add3A_323 = vector.broadcast %add3A_322 : i32 to vector<16xi32>
        %add3A_324 = arith.addi %and3A_311, %add3A_323 : vector<16xi32>
        %and3A_325 = arith.constant 63 : i32
        %and3A_326 = vector.broadcast %and3A_325 : i32 to vector<16xi32>
        %and3A_327 = arith.andi %add3A_324, %and3A_326 : vector<16xi32>
        scf.yield %add3A_320, %add3A_321, %and3A_327 : vector<16xf32>, vector<16xf32>, vector<16xi32>
      }
      %scan3A_57 = arith.constant 4 : i32
      %add3A_58 = arith.addf %scan3A_56#0, %scan3A_56#1 : vector<16xf32>
      %mul3A_59 = arith.constant -7.812500e-03 : f32
      %mul3A_60 = vector.broadcast %mul3A_59 : f32 to vector<16xf32>
      %mul3A_61 = arith.mulf %add3A_58, %mul3A_60 : vector<16xf32>
      %exp3A = math.exp %mul3A_61 : vector<16xf32>
      %mul3A_62 = arith.constant 16 : i32
      %mul3A_63 = arith.muli %scan3A_42, %mul3A_62 : i32
      %add3A_64 = arith.constant 9920 : i32
      %add3A_65 = arith.addi %add3A_64, %mul3A_63 : i32
      %get3A = arith.index_cast %add3A_65 : i32 to index
      %get3A_66 = tpu.vector_load %arg9[%get3A] {strides = array<i32>} : memref<10000xf32, #tpu.memory_space<vmem>>, vector<16xf32>,
      %sub3A = arith.subf %get3A_66, %exp3A : vector<16xf32>
      %mul3A_67 = arith.constant 5.000000e-01 : f32
      %mul3A_68 = vector.broadcast %mul3A_67 : f32 to vector<16xf32>
      %mul3A_69 = arith.mulf %mul3A_68, %sub3A : vector<16xf32>
      %mul3A_70 = arith.mulf %mul3A_69, %sub3A : vector<16xf32>
      %add3A_71 = arith.addf %scan3A_43, %mul3A_70 : vector<16xf32>
      scf.yield %add3A_71 : vector<16xf32>
    }
    %scan3A_40 = arith.constant 5 : i32
    %swap3A = arith.constant 0 : index
    %swap3A_41 = tpu.vector_load %arg14[%swap3A] {strides = array<i32>} : memref<16xf32, #tpu.memory_space<vmem>>, vector<16xf32>,
    tpu.vector_store %arg14[%swap3A], %scan3A_39 {strides = array<i32>} : memref<16xf32, #tpu.memory_space<vmem>>, vector<16xf32>,
    "tpu.region"() ({
      %run_scoped3A = tpu.sem_alloc : memref<!tpu.dma_semaphore, #tpu.memory_space<semaphore_mem>>
      %dma_start3A_42 = arith.constant 0 : i32
      %dma_start3A_43 = tpu.memref_slice %arg6[%add3A, %dma_start3A_42] : memref<32x16xf32, #tpu.memory_space<hbm>> -> memref<1x16xf32, #tpu.memory_space<hbm>>
      %dma_start3A_44 = tpu.memref_squeeze %dma_start3A_43 : memref<1x16xf32, #tpu.memory_space<hbm>> -> memref<16xf32, #tpu.memory_space<hbm>>
      %dma_start3A_45 = arith.constant 0 : i32
      %dma_start3A_46 = tpu.memref_slice %arg6[%add3A, %dma_start3A_45] : memref<32x16xf32, #tpu.memory_space<hbm>> -> memref<1x16xf32, #tpu.memory_space<hbm>>
      %dma_start3A_47 = tpu.memref_squeeze %dma_start3A_46 : memref<1x16xf32, #tpu.memory_space<hbm>> -> memref<16xf32, #tpu.memory_space<hbm>>
      tpu.enqueue_dma source(%arg14 : memref<16xf32, #tpu.memory_space<vmem>>) target(%dma_start3A_47 : memref<16xf32, #tpu.memory_space<hbm>>) target_semaphore(%run_scoped3A : memref<!tpu.dma_semaphore, #tpu.memory_space<semaphore_mem>>)
      %dma_wait3A_48 = arith.constant 0 : i32
      %dma_wait3A_49 = tpu.memref_slice %arg6[%add3A, %dma_wait3A_48] : memref<32x16xf32, #tpu.memory_space<hbm>> -> memref<1x16xf32, #tpu.memory_space<hbm>>
      %dma_wait3A_50 = tpu.memref_squeeze %dma_wait3A_49 : memref<1x16xf32, #tpu.memory_space<hbm>> -> memref<16xf32, #tpu.memory_space<hbm>>
      %dma_wait3A_51 = arith.constant 0 : i32
      %dma_wait3A_52 = tpu.memref_slice %arg6[%add3A, %dma_wait3A_51] : memref<32x16xf32, #tpu.memory_space<hbm>> -> memref<1x16xf32, #tpu.memory_space<hbm>>
      %dma_wait3A_53 = tpu.memref_squeeze %dma_wait3A_52 : memref<1x16xf32, #tpu.memory_space<hbm>> -> memref<16xf32, #tpu.memory_space<hbm>>
      tpu.wait_dma2 semaphore(%run_scoped3A : memref<!tpu.dma_semaphore, #tpu.memory_space<semaphore_mem>>) src(%arg14 : memref<16xf32, #tpu.memory_space<vmem>>) dst(%dma_wait3A_53 : memref<16xf32, #tpu.memory_space<hbm>>)
      tpu.yield
    }) : () -> ()
    return
  }
}

module attributes {stable_mosaic.version = 14 : i64} {
  func.func @_h_body(%arg0: memref<10000x128xf32, #tpu.memory_space<vmem>>, %arg1: memref<128x128xf32, #tpu.memory_space<vmem>>, %arg2: memref<1x128xf32, #tpu.memory_space<vmem>>, %arg3: memref<10000x128xbf16, #tpu.memory_space<vmem>>) attributes {dimension_semantics = [], scalar_prefetch = 0 : i64, scratch_operands = 0 : i64, tpu.core_type = #tpu.core_type<tc>} {
    %get3A = arith.constant 0 : index
    %get3A_0 = arith.constant 0 : index
    %get3A_1 = vector.load %arg0[%get3A, %get3A_0] : memref<10000x128xf32, #tpu.memory_space<vmem>>, vector<10000x128xf32>
    %get3A_2 = arith.constant 0 : index
    %get3A_3 = arith.constant 0 : index
    %get3A_4 = vector.load %arg1[%get3A_2, %get3A_3] : memref<128x128xf32, #tpu.memory_space<vmem>>, vector<128x128xf32>
    %dot_general3A = arith.constant dense<0.000000e+00> : vector<10000x128xf32>
    %dot_general3A_5 = tpu.matmul %get3A_1, %get3A_4, %dot_general3A {dimension_numbers = #tpu.dot_dimension_numbers<[1], [1], [0], [0], [0, 0, 1, 0], [], []>, transpose_lhs_hint = false} : vector<10000x128xf32>, vector<128x128xf32>, vector<10000x128xf32> -> vector<10000x128xf32>
    %get3A_6 = arith.constant 0 : index
    %get3A_7 = arith.constant 0 : index
    %get3A_8 = vector.load %arg2[%get3A_6, %get3A_7] : memref<1x128xf32, #tpu.memory_space<vmem>>, vector<1x128xf32>
    %add3A = vector.broadcast %get3A_8 : vector<1x128xf32> to vector<10000x128xf32>
    %add3A_9 = arith.addf %dot_general3A_5, %add3A : vector<10000x128xf32>
    %max3A = arith.constant 0.000000e+00 : f32
    %max3A_10 = vector.broadcast %max3A : f32 to vector<10000x128xf32>
    %max3A_11 = arith.maximumf %add3A_9, %max3A_10 : vector<10000x128xf32>
    %convert_element_type3A = arith.truncf %max3A_11 : vector<10000x128xf32> to vector<10000x128xbf16>
    %swap3A = arith.constant 0 : index
    %swap3A_12 = arith.constant 0 : index
    %swap3A_13 = vector.load %arg3[%swap3A, %swap3A_12] : memref<10000x128xbf16, #tpu.memory_space<vmem>>, vector<10000x128xbf16>
    tpu.vector_store %arg3[%swap3A, %swap3A_12], %convert_element_type3A {strides = array<i32>} : memref<10000x128xbf16, #tpu.memory_space<vmem>>, vector<10000x128xbf16>,
    return
  }
}

</mosaic_0001>

<sc_bundles>
// kernel: kernel.4.cloned.1.call-start
scs
__scs_entry_jumppad:
0x0: {  	(pc) =	sbr.rel $0x88, $3  }
0x1: {  	(tag) =	ssettag $0x0;
	lr =	simm.s32 $0x1  }
0x2: {  	[smem:$0x3F9C] =	sst lr;
	_ =	strace $0xD0000000  }
0x3: {  	_ = 	snop  }
0x4: {  	_ = 	snop  }
0x5: {  	_ = 	snop  }
0x6: {  	_ = 	snop  }
0x7: {  	_ = 	snop  }
__scs_overlays_trampoline_lowered:
0x8: {  	[smem:$0x3FAB] =	sst s0  }
0x9: {  	[smem:$0x3FAC] =	sst s1  }
0xa: {  	[smem:$0x3FAD] =	sst s2  }
0xb: {  	[smem:$0x3FAE] =	sst s3  }
0xc: {  	[smem:$0x3FAF] =	sst s4  }
0xd: {  	[smem:$0x3FB0] =	sst s5  }
0xe: {  	[smem:$0x3FB1] =	sst s6  }
0xf: {  	[smem:$0x3FB2] =	sst s7  }
0x10: {  	[smem:$0x3FB3] =	sst s8  }
0x11: {  	[smem:$0x3FB4] =	sst s9;
	s0 =	simm.s32 @!p0 $0x0  }
0x12: {  	s1 =	sld [smem:$0x3F9A];
	s0 =	simm.s32 @p0 $0x1  }
0x13: {  	[smem:$0x3FB5] =	sst s0;
	s0 =	simm.s32 @!p1 $0x0  }
0x14: {  	s2 =	sld [smem:$0x3F99];
	s0 =	simm.s32 @p1 $0x1  }
0x15: {  	[smem:$0x3FB6] =	sst s0;
	s0 =	simm.s32 @!p2 $0x0  }
0x16: {  	s3 =	sld [smem:$0x3FDB];
	s0 =	simm.s32 @p2 $0x1  }
0x17: {  	s4 =	simm.s32 $0x1BF5;
	[smem:$0x3FB8] =	sst s0  }
0x18: {  	s0 =	sld [smem:$0x3F9B];
	_ =	swait.ge [sflag:s4], $0x0  }
0x19: {  	s7 =	sld [smem:$0x3F9C]  }
0x1a: {  	s8 =	sadd.s32 $0xFFFFE003, lr  }
0x1b: {  	s9 =	sadd.s32 $0xFFFFFEF7, lr;
	s5 =	simm.s32 $0xFFFFFFFF;
	p2 =	slt.u32 s8, $0xFFFFF086  }
0x1c: {  	p1 =	slt.u32 s9, $0xF7A;
	s5 =	simm.s32 @!p2 $0x0  }
0x1d: {  	s5 =	simm.s32 @p1 $0x1;
	p0 =	seq.s32 s7, s2  }
0x1e: {  	s7 =	smul.u32 @!p0 $0xF7A, s2;
	p2 =	seq.s32 @!p0 s5, $0x0  }
0x1f: {  	s9 =	smul.u32 $0xF7A, s1;
	s8 =	simm.s32 @!p0 $0x1BF5;
	p2 =	por !p2, p0  }
0x20: {  	[sflag:s8] =	ssyncset.s32 @!p0 $0xFFFFF086;
	s6 =	sadd.s32 @!p0 s3, s7;
	s7 =	simm.s32 @!p0 $0x108  }
0x21: {  	s3 =	sadd.s32 s3, s9;
	s6 =	sadd.s32 @!p0 $0x88, s6;
	s7 =	simm.s32 @p2 $0x1082  }
0x22: {  	[simem:s7], [sflag:s8] =	dma.local @!p0 [hbm:s6], $0xF7A  }
0x23: {  	s9 =	sor.u32 $0xD0000000, s2;
	s6 =	simm.s32 $0x108;
	_ =	swait.ge @!p0 [sflag:s8], $0x0  }
0x24: {  	s3 =	sadd.s32 $0x88, s3;
	s6 =	simm.s32 @!p1 $0x1082;
	[sflag:s4] =	ssyncset.s32 $0xFFFFF086  }
0x25: {  	[simem:s6], [sflag:s4] =	dma.local [hbm:s3], $0xF7A  }
0x26: {  	[smem:$0x3F9C] =	sst s1;
	(tag) =	ssettag s2;
	_ =	strace s9  }
0x27: {  	s1 =	sld [smem:$0x3FAC]  }
0x28: {  	s2 =	sld [smem:$0x3FAD]  }
0x29: {  	s4 =	sld [smem:$0x3FAF]  }
0x2a: {  	p0 =	seq.s32 s5, $0x0;
	s5 =	sld [smem:$0x3FB0]  }
0x2b: {  	s6 =	sld [smem:$0x3FB1]  }
0x2c: {  	s7 =	sld [smem:$0x3FB2]  }
0x2d: {  	s3 =	simm.s32 $0x108;
	s8 =	sld [smem:$0x3FB3]  }
0x2e: {  	s3 =	simm.s32 @!p0 $0x1082;
	s9 =	sld [smem:$0x3FB4]  }
0x2f: {  	lr =	sadd.s32 s0, s3;
	s0 =	sld [smem:$0x3FAB]  }
0x30: {  	s3 =	sld [smem:$0x3FAE]  }
0x31: {  	[smem:$0x3FB7] =	sst s10  }
0x32: {  	s10 =	sld [smem:$0x3FB5];
	_ =	sdelay $0x3  }
0x33: {  	p0 =	seq.s32 s10, $0x1;
	s10 =	sld [smem:$0x3FB7];
	_ =	sdelay $0x3  }
0x34: {  	[smem:$0x3FB7] =	sst s10  }
0x35: {  	s10 =	sld [smem:$0x3FB6];
	_ =	sdelay $0x3  }
0x36: {  	p1 =	seq.s32 s10, $0x1;
	s10 =	sld [smem:$0x3FB7];
	_ =	sdelay $0x3  }
0x37: {  	[smem:$0x3FB7] =	sst s10  }
0x38: {  	s10 =	sld [smem:$0x3FB8]  }
0x39: {  	_ = 	snop;
	(pc) =	sbr.ind lr, $3  }
0x3a: {  	_ = 	snop  }
0x3b: {  	_ = 	snop  }
0x3c: {  	p2 =	seq.s32 s10, $0x1;
	s10 =	sld [smem:$0x3FB7]  }
0x3d: {  	_ =	shalt  }
0x3e: {  	_ =	shalt  }
0x3f: {  	_ =	shalt  }
0x40: {  	_ =	shalt  }
0x41: {  	_ =	shalt  }
0x42: {  	_ =	shalt  }
0x43: {  	_ =	shalt  }
0x44: {  	_ =	shalt  }
0x45: {  	_ =	shalt  }
0x46: {  	_ =	shalt  }
0x47: {  	_ =	shalt  }
0x48: {  	_ =	shalt  }
0x49: {  	_ =	shalt  }
0x4a: {  	_ =	shalt  }
0x4b: {  	_ =	shalt  }
0x4c: {  	_ =	shalt  }
0x4d: {  	_ =	shalt  }
0x4e: {  	_ =	shalt  }
0x4f: {  	_ =	shalt  }
0x50: {  	_ =	shalt  }
0x51: {  	_ =	shalt  }
0x52: {  	_ =	shalt  }
0x53: {  	_ =	shalt  }
0x54: {  	_ =	shalt  }
0x55: {  	_ =	shalt  }
0x56: {  	_ =	shalt  }
0x57: {  	_ =	shalt  }
0x58: {  	_ =	shalt  }
0x59: {  	_ =	shalt  }
0x5a: {  	_ =	shalt  }
0x5b: {  	_ =	shalt  }
0x5c: {  	_ =	shalt  }
0x5d: {  	_ =	shalt  }
0x5e: {  	_ =	shalt  }
0x5f: {  	_ =	shalt  }
0x60: {  	_ =	shalt  }
0x61: {  	_ =	shalt  }
0x62: {  	_ =	shalt  }
0x63: {  	_ =	shalt  }
0x64: {  	_ =	shalt  }
0x65: {  	_ =	shalt  }
0x66: {  	_ =	shalt  }
0x67: {  	_ =	shalt  }
0x68: {  	_ =	shalt  }
0x69: {  	_ =	shalt  }
0x6a: {  	_ =	shalt  }
0x6b: {  	_ =	shalt  }
0x6c: {  	_ =	shalt  }
0x6d: {  	_ =	shalt  }
0x6e: {  	_ =	shalt  }
0x6f: {  	_ =	shalt  }
0x70: {  	_ =	shalt  }
0x71: {  	_ =	shalt  }
0x72: {  	_ =	shalt  }
0x73: {  	_ =	shalt  }
0x74: {  	_ =	shalt  }
0x75: {  	_ =	shalt  }
0x76: {  	_ =	shalt  }
0x77: {  	_ =	shalt  }
0x78: {  	_ =	shalt  }
0x79: {  	_ =	shalt  }
0x7a: {  	_ =	shalt  }
0x7b: {  	_ =	shalt  }
0x7c: {  	_ =	shalt  }
0x7d: {  	_ =	shalt  }
0x7e: {  	_ =	shalt  }
0x7f: {  	_ =	shalt  }
0x80: {  	_ =	shalt  }
0x81: {  	_ =	shalt  }
0x82: {  	_ =	shalt  }
0x83: {  	_ =	shalt  }
0x84: {  	_ =	shalt  }
0x85: {  	_ =	shalt  }
0x86: {  	_ =	shalt  }
0x87: {  	_ =	shalt  }
.Lfunc_end0:
.L_simem_size_0:
called_computation_lowered:
.L_overlay_start_0:
0x88: {  	s2 =	sld [smem:$0x3FD9]  }
0x89: {  	s3 =	sld [smem:$0x3FFE];
	_ =	sdelay $0x1  }
0x8a: {  	s1 =	srdreg.scid  }
0x8b: {  	s0 =	sand.u32 $0x1, s1  }
0x8c: {  	s17 =	sshll.u32 s0, $0xA;
	s2 =	sadd.s32 s3, s2  }
0x8d: {  	s2 =	sadd.s32 s2, s17  }
0x8e: {  	[smem:$0x3FC3] =	sst s2  }
0x8f: {  	_ = 	snop  }
0x90: {  	s2 =	sld [smem:$0x3FC8];
	(tm) =	ssettm $0x1  }
0x91: {  	s18 =	sld [smem:$0x3FFB];
	_ =	sdelay $0x3  }
0x92: {  	_ =	strace s18  }
0x93: {  	s3 =	sld [smem:$0x3FFC];
	_ =	sdelay $0x3  }
0x94: {  	_ =	strace s3  }
0x95: {  	s3 =	sld [smem:$0x3FFD];
	_ =	sdelay $0x3  }
0x96: {  	_ =	strace s3  }
0x97: {  	_ =	strace $0x8FFFFFFF  }
0x98: {  	s19 =	sld [smem:$0x3FDB];
	_ =	sdelay $0x1  }
0x99: {  	s4 =	simm.s32 $_scs_section_size  }
0x9a: {  	s5 =	simm.s32 $_size__tile_overlayer_lowered;
	s6 =	simm.s32 $_tile_overlayer_lowered  }
0x9b: {  	s22 =	simm.s32 $0x1BFF;
	s21 =	sshll.u32 s6, $0x1;
	s3 =	sadd.s32 s4, s19  }
0x9c: {  	s7 =	simm.s32 $0x0;
	s20 =	sshll.u32 s5, $0x1;
	s5 =	sadd.s32 s21, s3  }
0x9d: {  	[timem:s7], [sflag:s22] =	dma.local [hbm:s5], s20  }
0x9e: {  	_ =	swait.ge [sflag:s22], s20  }
0x9f: {  	s4 =	ssub.s32 $0x0, s20;
	[sflag:s22] =	ssyncset.done $0x0  }
0xa0: {  	[sflag:s22] =	ssyncadd.s32 s4;
	_ =	sdelay $0x1  }
0xa1: {  	s23 =	simm.s32 $0x1B8B  }
0xa2: {  	_ =	swait.ge [sflag:s23], $0x1  }
0xa3: {  	[sflag:s23] =	ssyncset.done $0x0  }
0xa4: {  	s25 =	simm.s32 $0x1B8E;
	s24 =	sld [smem:$0x3FFE];
	[sflag:s23] =	ssyncadd.s32 $0xFFFFFFFF  }
0xa5: {  	s26 =	simm.s32 $execute0_lowered;
	[smem:$0x3FD2] =	sst s25  }
0xa6: {  	s5 =	sshll.u32 s26, $0x1;
	_ =	strace $0x80000046;
	[dreg:$0x1] =	wrdreg $0xFFFFFFFF  }
0xa7: {  	s28 =	simm.s32 $_size_execute0_lowered;
	s3 =	sadd.s32 s3, s5;
	[dreg:$0x0] =	wrdreg $0x0  }
0xa8: {  	s5 =	sshll.u32 s28, $0x1;
	[dreg:$0x2] =	wrdreg s3  }
0xa9: {  	[dreg:$0x3] =	wrdreg s5  }
0xaa: {  	[dreg:$0x4] =	wrdreg $0xC0  }
0xab: {  	_ =	task [dreg:s7], $0x5FFFF  }
0xac: {  	[dreg:$0x1] =	wrdreg $0xFFFFFFFF  }
0xad: {  	[dreg:$0x0] =	wrdreg $0x60  }
0xae: {  	[dreg:$0x2] =	wrdreg s24  }
0xaf: {  	[dreg:$0x3] =	wrdreg s2  }
0xb0: {  	[dreg:$0x4] =	wrdreg $0xC5400  }
0xb1: {  	[dreg:$0x5] =	wrdreg $0x9  }
0xb2: {  	_ =	task.clear_ibuf [dreg:s7], $0x6FFFF;
	_ =	strace $0x90000046  }
0xb3: {  	s29 =	simm.s32 $0x9;
	_ =	strace $0x80000048  }
0xb4: {  	_ =	swait.ge [sflag:s29], $0x1  }
0xb5: {  	[sflag:s29] =	ssyncadd.s32 $0xFFFFFFFF  }
0xb6: {  	_ =	strace $0x90000048  }
0xb7: {  	_ =	sfence  }
0xb8: {  	s30 =	sld [smem:$0x0];
	_ =	sdelay $0x2  }
0xb9: {  	s31 =	sshll.u32 s1, $0xD;
	s1 =	sshrl.u32 s1, $0x2  }
0xba: {  	s3 =	sand.u32 $0x4000, s31;
	s1 =	sadd.s32 s1, s30  }
0xbb: {  	s0 =	sor.u32 s3, s0;
	s1 =	sshll.u32 s1, $0x11  }
0xbc: {  	s0 =	sor.u32 s1, s0  }
0xbd: {  	s0 =	sadd.s32 $0x8F2B, s0  }
0xbe: {  	[sflag:s0] =	ssyncadd.remote.s32 $0x1  }
0xbf: {  	_ =	sfence.sel $0xFFFF  }
0xc0: {  	[dreg:$0x0] =	wrdreg $0xFFFFFFFF;
	(pc) =	sbr.abs _section_cstart, $3  }
0xc1: {  	[dreg:$0x1] =	wrdreg $0xFFFFFFFF  }
0xc2: {  	_ =	task.clear_ibuf [dreg:s7], $0x2FFFF;
	_ =	strace $0x9FFFFFFF  }
0xc3: {  	(tm) =	ssettm $0x7FFFFFFF  }
tec
execute0_lowered:
.L_overlay_start_1:
0x0: {  	(tag) =	ssettag $0x1  }
0x1: {  	s0 =	rddreg [dreg:$0x0]  }
0x2: {  	s6 =	rddreg [dreg:$0x1]  }
0x3: {  	s1 =	srdreg.scid;
	s9 =	stileid.u32  }
0x4: {  	s2 =	rddreg [dreg:$0x2];
	s3 =	simm.s32 $0x0;
	s12 =	simm.s32 $0x4E20  }
0x5: {  	s13 =	simm.s32 $0x50;
	s14 =	simm.s32 $0x7530;
	s15 =	simm.s32 $0x8930  }
0x6: {  	s16 =	simm.s32 $0x9D30;
	s17 =	simm.s32 $0xB130;
	s18 =	simm.s32 $0x1  }
0x7: {  	s19 =	simm.s32 $0x2;
	s20 =	simm.s32 $0x3;
	s21 =	simm.s32 $0x4  }
0x8: {  	s22 =	simm.s32 $0xC530;
	s4 =	sand.u32 $0x1, s1;
	s1 =	rddreg [dreg:$0x3]  }
0x9: {  	s23 =	simm.s32 $0x0;
	s5 =	sshll.u32 s9, $0x1;
	[smem:$0x7FF] =	sst s3  }
0xa: {  	p0 =	sne.s32 s9, $0x0;
	s5 =	sor.u32 s4, s5;
	s4 =	ssub.s32 $0x2, s4  }
0xb: {  	_ =	strace $0x80000047;
	s7 =	smul.u32 $0x4E2, s5;
	s5 =	sshll.u32 s5, $0x1  }
0xc: {  	s9 =	sshrl.u32 @!p0 s2, $0x3;
	s8 =	sshrl.u32 s4, $0x1;
	s11 =	sadd.s32 s5, s0  }
0xd: {  	s8 =	ssub.s32 s4, s8;
	s10 =	sadd.s32 s7, s0;
	s6 =	sadd.s32 s6, s7  }
0xe: {  	s7 =	sadd.s32 $0x27600, s11;
	s8 =	smax.u32 s8, $0x1;
	s11 =	simm.s32 $0x2710  }
0xf: {  	s4 =	sadd.s32 $0x1D800, s10;
	s5 =	sadd.s32 $0x13A00, s10;
	s10 =	simm.s32 $0x5  }
.LBB2_1:
0x10: {  	s24 =	simm.s32 @!p0 $0x1C05  }
0x11: {  	[spmem:s9], [sflag:s24] =	dma.local @!p0 [hbm:s0], $0x13880  }
0x12: {  	s24 =	simm.s32 @!p0 $0x5  }
0x13: {  	_ =	swait.ge @!p0 [sflag:s24], $0x13880  }
0x14: {  	[sflag:s24] =	ssyncset.done @!p0 $0x0  }
0x15: {  	[sflag:s24] =	ssyncadd.s32 @!p0 $0xFFFEC780  }
0x16: {  	[tilespmem:s3], [sflag:$0x5] =	stream.linear.gather [hbm4b:s4+s3], $0x2710, $0x38;
	[tilespmem:$0x16180] =	vst v63  }
0x17: {  	_ =	swait.ge [sflag:s10], $0x2710  }
0x18: {  	[sflag:s10] =	ssyncset.done $0x0  }
0x19: {  	[sflag:s10] =	ssyncadd.s32 $0xFFFFD8F0  }
0x1a: {  	[tilespmem:s11], [sflag:$0x5] =	stream.linear.gather [hbm4b:s5+s3], $0x2710, $0x38;
	[tilespmem:$0x16180] =	vst v63  }
0x1b: {  	_ =	swait.ge [sflag:s10], $0x2710  }
0x1c: {  	[sflag:s10] =	ssyncset.done $0x0  }
0x1d: {  	[sflag:s10] =	ssyncadd.s32 $0xFFFFD8F0  }
0x1e: {  	[tilespmem:s12], [sflag:$0x5] =	stream.linear.gather [hbm4b:s6+s3], $0x2710, $0x38;
	[tilespmem:$0x16180] =	vst v63  }
0x1f: {  	_ =	swait.ge [sflag:s10], $0x2710  }
0x20: {  	[sflag:s10] =	ssyncset.done $0x0  }
0x21: {  	[sflag:s10] =	ssyncadd.s32 $0xFFFFD8F0  }
0x22: {  	[bflag:$0x0] =	sbarrier.arrive $0xFFFF  }
0x23: {  	[tilespmem:s14], [sflag:$0x1] =	stream.indirect.gather [spmem:s2], $0x40, s3, s13, $0xb8;
	[tilespmem:$0x16180] =	vst v63  }
0x24: {  	s24 =	simm.s32 $0x0  }
0x25: {  	v0 =	vimm.f32 $0.0e+00;
	[tilespmem:s15], [sflag:$0x2] =	stream.indirect.gather [spmem:s2], $0x40, s11, s13, $0xb8;
	[tilespmem:$0x16180] =	vst v63  }
.LBB2_2:
0x26: {  	s26 =	smul.u32 $0xA0, s24;
	_ =	sdelay $0x1  }
0x27: {  	s25 =	sadd.s32 $0x50, s26  }
0x28: {  	[tilespmem:s16], [sflag:$0x3] =	stream.indirect.gather [spmem:s2], $0x40, s25, s13, $0xb8;
	[tilespmem:$0x16180] =	vst v63  }
0x29: {  	s28 =	sadd.s32 $0x2760, s26  }
0x2a: {  	[tilespmem:s17], [sflag:$0x4] =	stream.indirect.gather [spmem:s2], $0x40, s28, s13, $0xb8;
	[tilespmem:$0x16180] =	vst v63  }
0x2b: {  	_ =	swait.ge [sflag:s18], $0x1400  }
0x2c: {  	s28 =	smul.u32 $0x280, s24;
	[sflag:s18] =	ssyncset.done $0x0  }
0x2d: {  	[sflag:s18] =	ssyncadd.s32 $0xFFFFEC00  }
0x2e: {  	s28 =	sshra.s32 s28, $0x2;
	_ =	swait.ge [sflag:s19], $0x1400  }
0x2f: {  	s29 =	sadd.s32 $0x4E20, s28;
	[sflag:s19] =	ssyncset.done $0x0  }
0x30: {  	s28 =	simm.s32 $0x0;
	v1 =	vmov s29;
	[sflag:s19] =	ssyncadd.s32 $0xFFFFEC00  }
.LBB2_3:
0x31: {  	s29 =	sshll.u32 s28, $0x4;
	v3 =	vlaneseq.u32  }
0x32: {  	v2 =	vmov s29;
	v4 =	vmul.u32 $0x40, v3  }
0x33: {  	v2 =	vshll.u32 v2, $0x6  }
0x34: {  	v2 =	vor.u32 v4, v2  }
0x35: {  	v5 =	vadd.s32 $0x1, v3;
	v4 =	vor.u32 v2, v3  }
0x36: {  	v5 =	vand.u32 $0x3F, v5  }
0x37: {  	v6 =	vadd.s32 $0x2, v3;
	v5 =	vor.u32 v2, v5  }
0x38: {  	v6 =	vand.u32 $0x3F, v6  }
0x39: {  	v10 =	vadd.s32 $0x4, v3;
	v6 =	vor.u32 v2, v6  }
0x3a: {  	v10 =	vand.u32 $0x3F, v10;
	v7 =	vld.idx.msk [tilespmem:v4+s15+$0x0], $0xffff  }
0x3b: {  	v8 =	vadd.s32 $0x3, v3;
	v10 =	vor.u32 v2, v10;
	v4 =	vld.idx.msk [tilespmem:v4+s14+$0x0], $0xffff  }
0x3c: {  	v8 =	vand.u32 $0x3F, v8;
	v9 =	vld.idx.msk [tilespmem:v5+s14+$0x0], $0xffff  }
0x3d: {  	v8 =	vor.u32 v2, v8;
	v5 =	vld.idx.msk [tilespmem:v5+s15+$0x0], $0xffff  }
0x3e: {  	v12 =	vld.idx.msk [tilespmem:v6+s14+$0x0], $0xffff  }
0x3f: {  	v13 =	vimm.f32 $0.0e+00;
	v11 =	vadd.s32 $0xF, v3;
	v6 =	vld.idx.msk [tilespmem:v6+s15+$0x0], $0xffff  }
0x40: {  	v14 =	vadd.s32 $0x7, v3;
	v15 =	vand.u32 $0x7, v3;
	v16 =	vadd.s32 $0xD, v3;
	v19 =	vld.idx.msk [tilespmem:v10+s14+$0x0], $0xffff  }
0x41: {  	v17 =	vadd.s32 $0x5, v3;
	v18 =	vadd.s32 $0x6, v3;
	v20 =	vadd.s32 $0x8, v3;
	v10 =	vld.idx.msk [tilespmem:v10+s15+$0x0], $0xffff  }
0x42: {  	v60 =	vadd.s32 $0x10, v3;
	v11 =	vand.u32 $0x3F, v11;
	v4 =	vsub.bf16 v4, v7;
	v7 =	vld.idx.msk [tilespmem:v8+s14+$0x0], $0xffff  }
0x43: {  	v14 =	vand.u32 $0x3F, v14;
	v8 =	vld.idx.msk [tilespmem:v8+s15+$0x0], $0xffff;
	v5 =	vsub.bf16 v9, v5;
	v9 =	vand.u32 $0x3F, v18  }
0x44: {  	v17 =	vand.u32 $0x3F, v17;
	v16 =	vand.u32 $0x3F, v16;
	v9 =	vor.u32 v2, v9  }
0x45: {  	v11 =	vor.u32 v2, v11;
	v17 =	vor.u32 v2, v17;
	v63 =	vor.u32 v2, v16  }
0x46: {  	v18 =	vadd.s32 $0x9, v3;
	v6 =	vsub.bf16 v12, v6;
	v10 =	vsub.bf16 v19, v10  }
0x47: {  	v18 =	vand.u32 $0x3F, v18;
	v4 =	vmul.bf16 v4, v4;
	v5 =	vmul.bf16 v5, v5  }
0x48: {  	v7 =	vsub.bf16 v7, v8;
	v8 =	vor.u32 v2, v14;
	v14 =	vand.u32 $0x38, v20  }
0x49: {  	v12 =	vunpack.i.u.bf16.f32 v4;
	v4 =	vunpack.i.l.bf16.f32 v4;
	v22 =	vld.idx.msk [tilespmem:v9+s15+$0x0], $0xffff;
	v14 =	vor.u32 v14, v15  }
0x4a: {  	v6 =	vmul.bf16 v6, v6;
	v4 =	vadd.f32 v4, v13;
	v9 =	vld.idx.msk [tilespmem:v9+s14+$0x0], $0xffff;
	v14 =	vor.u32 v2, v14  }
0x4b: {  	v10 =	vmul.bf16 v10, v10;
	v21 =	vunpack.i.u.bf16.f32 v5;
	v5 =	vunpack.i.l.bf16.f32 v5;
	v15 =	vld.idx.msk [tilespmem:v17+s14+$0x0], $0xffff  }
0x4c: {  	v59 =	vunpack.i.u.bf16.f32 v6;
	v4 =	vadd.f32 v5, v4;
	v5 =	vld.idx.msk [tilespmem:v17+s15+$0x0], $0xffff;
	v17 =	vor.u32 v2, v18  }
0x4d: {  	v6 =	vunpack.i.l.bf16.f32 v6;
	v24 =	vunpack.i.u.bf16.f32 v10;
	v7 =	vmul.bf16 v7, v7;
	v23 =	vld.idx.msk [tilespmem:v8+s15+$0x0], $0xffff  }
0x4e: {  	v10 =	vunpack.i.l.bf16.f32 v10;
	v18 =	vadd.s32 $0xA, v3;
	v4 =	vadd.f32 v6, v4;
	v8 =	vld.idx.msk [tilespmem:v8+s14+$0x0], $0xffff  }
0x4f: {  	v12 =	vadd.f32 v12, v13;
	v19 =	vunpack.i.l.bf16.f32 v7;
	v6 =	vand.u32 $0x3F, v18;
	v25 =	vld.idx.msk [tilespmem:v14+s14+$0x0], $0xffff  }
0x50: {  	v13 =	vadd.s32 $0xB, v3;
	v6 =	vor.u32 v2, v6;
	v4 =	vadd.f32 v19, v4;
	v14 =	vld.idx.msk [tilespmem:v14+s15+$0x0], $0xffff  }
0x51: {  	v13 =	vand.u32 $0x3F, v13;
	v12 =	vadd.f32 v21, v12;
	v18 =	vadd.s32 $0xC, v3;
	v19 =	vld.idx.msk [tilespmem:v17+s14+$0x0], $0xffff  }
0x52: {  	v5 =	vsub.bf16 v15, v5;
	v15 =	vld.idx.msk [tilespmem:v17+s15+$0x0], $0xffff;
	v4 =	vadd.f32 v10, v4;
	v10 =	vor.u32 v2, v13  }
0x53: {  	v7 =	vunpack.i.u.bf16.f32 v7;
	v12 =	vadd.f32 v59, v12;
	v3 =	vadd.s32 $0xE, v3;
	v17 =	vld.idx.msk [tilespmem:v11+s15+$0x0], $0xffff  }
0x54: {  	v3 =	vand.u32 $0x3F, v3;
	v9 =	vsub.bf16 v9, v22;
	v11 =	vld.idx.msk [tilespmem:v11+s14+$0x0], $0xffff;
	v5 =	vmul.bf16 v5, v5  }
0x55: {  	v7 =	vadd.f32 v7, v12;
	v13 =	vand.u32 $0x3F, v18;
	v8 =	vsub.bf16 v8, v23;
	v18 =	vld.idx.msk [tilespmem:v6+s14+$0x0], $0xffff  }
0x56: {  	v9 =	vmul.bf16 v9, v9;
	v62 =	vor.u32 v2, v13;
	v6 =	vld.idx.msk [tilespmem:v6+s15+$0x0], $0xffff;
	v61 =	vunpack.i.l.bf16.f32 v5  }
0x57: {  	v8 =	vmul.bf16 v8, v8;
	v14 =	vsub.bf16 v25, v14;
	v15 =	vsub.bf16 v19, v15;
	v19 =	vld.idx.msk [tilespmem:v10+s14+$0x0], $0xffff  }
0x58: {  	v12 =	vunpack.i.l.bf16.f32 v9;
	v20 =	vadd.f32 v61, v4;
	v16 =	vld.idx.msk [tilespmem:v10+s15+$0x0], $0xffff;
	v10 =	vadd.f32 v24, v7  }
0x59: {  	v13 =	vunpack.i.u.bf16.f32 v5;
	v14 =	vmul.bf16 v14, v14;
	v7 =	vunpack.i.u.bf16.f32 v8  }
0x5a: {  	v20 =	vadd.f32 v12, v20;
	v24 =	vadd.f32 v13, v10;
	v13 =	vor.u32 v2, v3  }
0x5b: {  	v3 =	vunpack.i.u.bf16.f32 v9;
	v18 =	vsub.bf16 v18, v6;
	v10 =	vld.idx.msk [tilespmem:v62+s15+$0x0], $0xffff;
	v6 =	vsub.bf16 v11, v17  }
0x5c: {  	v9 =	vld.idx.msk [tilespmem:v63+s14+$0x0], $0xffff;
	v5 =	vunpack.i.u.bf16.f32 v14;
	v4 =	vunpack.i.l.bf16.f32 v14;
	v14 =	vunpack.i.l.bf16.f32 v8  }
0x5d: {  	v11 =	vld.idx.msk [tilespmem:v63+s15+$0x0], $0xffff;
	v12 =	vadd.f32 v3, v24;
	v17 =	vadd.f32 v14, v20;
	v14 =	vmul.bf16 v15, v15  }
0x5e: {  	s30 =	simm.s32 $0x3;
	v8 =	vld.idx.msk [tilespmem:v62+s14+$0x0], $0xffff;
	v15 =	vmul.bf16 v18, v18;
	v3 =	vand.u32 $0x3F, v60;
	v16 =	vsub.bf16 v19, v16  }
.LBB2_4:
0x5f: {  	v18 =	vadd.s32 $0xF, v3;
	p1 =	sne.s32 s30, $0x1;
	s30 =	sadd.s32 $0xFFFFFFFF, s30;
	v17 =	vadd.f32 v4, v17;
	v19 =	vunpack.i.l.bf16.f32 v14  }
0x60: {  	v4 =	vand.u32 $0x3F, v18;
	v18 =	vunpack.i.l.bf16.f32 v15;
	v16 =	vmul.bf16 v16, v16;
	v20 =	vld.idx.msk [tilespmem:v13+s14+$0x0], $0xffff  }
0x61: {  	v15 =	vunpack.i.u.bf16.f32 v15;
	v4 =	vor.u32 v2, v4;
	v17 =	vadd.f32 v19, v17;
	v13 =	vld.idx.msk [tilespmem:v13+s15+$0x0], $0xffff  }
0x62: {  	v21 =	vadd.s32 $0x1, v3;
	v14 =	vunpack.i.u.bf16.f32 v14;
	v19 =	vor.u32 v2, v3  }
0x63: {  	v21 =	vand.u32 $0x3F, v21;
	v17 =	vadd.f32 v18, v17;
	v18 =	vunpack.i.l.bf16.f32 v16  }
0x64: {  	v22 =	vadd.s32 $0x2, v3;
	v21 =	vor.u32 v2, v21;
	v8 =	vsub.bf16 v8, v10  }
0x65: {  	v10 =	vand.u32 $0x3F, v22;
	v16 =	vunpack.i.u.bf16.f32 v16;
	v17 =	vadd.f32 v18, v17  }
0x66: {  	v10 =	vor.u32 v2, v10;
	v8 =	vmul.bf16 v8, v8;
	v9 =	vsub.bf16 v9, v11  }
0x67: {  	v7 =	vadd.f32 v7, v12;
	v18 =	vadd.s32 $0x3, v3;
	v11 =	vld.idx.msk [tilespmem:v19+s15+$0x0], $0xffff  }
0x68: {  	v6 =	vmul.bf16 v6, v6;
	v18 =	vand.u32 $0x3F, v18;
	v12 =	vld.idx.msk [tilespmem:v19+s14+$0x0], $0xffff;
	v19 =	vunpack.i.u.bf16.f32 v8  }
0x69: {  	v9 =	vmul.bf16 v9, v9;
	v18 =	vor.u32 v2, v18;
	v8 =	vunpack.i.l.bf16.f32 v8;
	v22 =	vld.idx.msk [tilespmem:v21+s14+$0x0], $0xffff  }
0x6a: {  	v13 =	vsub.bf16 v20, v13;
	v20 =	vunpack.i.u.bf16.f32 v6;
	v6 =	vunpack.i.l.bf16.f32 v6;
	v21 =	vld.idx.msk [tilespmem:v21+s15+$0x0], $0xffff  }
0x6b: {  	v24 =	vadd.s32 $0x4, v3;
	v25 =	vand.u32 $0x7, v3;
	v26 =	vadd.s32 $0xD, v3;
	v23 =	vld.idx.msk [tilespmem:v10+s14+$0x0], $0xffff  }
0x6c: {  	v27 =	vadd.s32 $0x7, v3;
	v24 =	vand.u32 $0x3F, v24;
	v28 =	vunpack.i.l.bf16.f32 v9;
	v10 =	vld.idx.msk [tilespmem:v10+s15+$0x0], $0xffff  }
0x6d: {  	v27 =	vand.u32 $0x3F, v27;
	v24 =	vor.u32 v2, v24;
	v9 =	vunpack.i.u.bf16.f32 v9  }
0x6e: {  	v29 =	vadd.s32 $0x5, v3;
	v8 =	vadd.f32 v8, v17;
	v11 =	vsub.bf16 v12, v11;
	v12 =	vld.idx.msk [tilespmem:v18+s14+$0x0], $0xffff  }
0x6f: {  	v5 =	vadd.f32 v5, v7;
	v17 =	vld.idx.msk [tilespmem:v18+s15+$0x0], $0xffff;
	v18 =	vand.u32 $0x3F, v29;
	v29 =	vadd.s32 $0x9, v3  }
0x70: {  	v13 =	vmul.bf16 v13, v13;
	v7 =	vmul.bf16 v11, v11;
	v11 =	vsub.bf16 v22, v21  }
0x71: {  	v5 =	vadd.f32 v14, v5;
	v21 =	vadd.s32 $0x6, v3;
	v22 =	vadd.s32 $0x8, v3  }
0x72: {  	v8 =	vadd.f32 v28, v8;
	v14 =	vunpack.i.u.bf16.f32 v7;
	v7 =	vunpack.i.l.bf16.f32 v7;
	v30 =	vld.idx.msk [tilespmem:v24+s14+$0x0], $0xffff  }
0x73: {  	v5 =	vadd.f32 v15, v5;
	v21 =	vand.u32 $0x3F, v21;
	v11 =	vmul.bf16 v11, v11;
	v24 =	vld.idx.msk [tilespmem:v24+s15+$0x0], $0xffff  }
0x74: {  	v10 =	vsub.bf16 v23, v10;
	v15 =	vor.u32 v2, v21;
	v21 =	vunpack.i.l.bf16.f32 v13  }
0x75: {  	v8 =	vadd.f32 v21, v8;
	v23 =	vunpack.i.u.bf16.f32 v11;
	v11 =	vunpack.i.l.bf16.f32 v11  }
0x76: {  	v10 =	vmul.bf16 v10, v10;
	v12 =	vsub.bf16 v12, v17;
	v17 =	vor.u32 v2, v18  }
0x77: {  	v5 =	vadd.f32 v16, v5;
	v21 =	vand.u32 $0x38, v22;
	v18 =	vor.u32 v2, v27  }
0x78: {  	v6 =	vadd.f32 v6, v8;
	v16 =	vunpack.i.u.bf16.f32 v10;
	v10 =	vunpack.i.l.bf16.f32 v10  }
0x79: {  	v5 =	vadd.f32 v19, v5;
	v13 =	vunpack.i.u.bf16.f32 v13;
	v21 =	vor.u32 v21, v25;
	v8 =	vld.idx.msk [tilespmem:v15+s15+$0x0], $0xffff  }
0x7a: {  	v6 =	vadd.f32 v7, v6;
	v7 =	vmul.bf16 v12, v12;
	v12 =	vld.idx.msk [tilespmem:v15+s14+$0x0], $0xffff;
	v15 =	vor.u32 v2, v21  }
0x7b: {  	v5 =	vadd.f32 v9, v5;
	v22 =	vand.u32 $0x3F, v29;
	v19 =	vsub.bf16 v30, v24;
	v21 =	vld.idx.msk [tilespmem:v17+s14+$0x0], $0xffff  }
0x7c: {  	v6 =	vadd.f32 v11, v6;
	v9 =	vunpack.i.l.bf16.f32 v7;
	v11 =	vld.idx.msk [tilespmem:v17+s15+$0x0], $0xffff;
	v17 =	vor.u32 v2, v22  }
0x7d: {  	v5 =	vadd.f32 v13, v5;
	v24 =	vadd.s32 $0xA, v3;
	v19 =	vmul.bf16 v19, v19;
	v22 =	vld.idx.msk [tilespmem:v18+s15+$0x0], $0xffff  }
0x7e: {  	v13 =	vand.u32 $0x3F, v24;
	v6 =	vadd.f32 v10, v6;
	v10 =	vld.idx.msk [tilespmem:v18+s14+$0x0], $0xffff;
	v18 =	vadd.s32 $0xC, v3  }
0x7f: {  	v5 =	vadd.f32 v20, v5;
	v24 =	vunpack.i.u.bf16.f32 v19;
	v19 =	vunpack.i.l.bf16.f32 v19;
	v25 =	vld.idx.msk [tilespmem:v15+s14+$0x0], $0xffff  }
0x80: {  	v7 =	vunpack.i.u.bf16.f32 v7;
	v13 =	vor.u32 v2, v13;
	v6 =	vadd.f32 v9, v6;
	v9 =	vld.idx.msk [tilespmem:v15+s15+$0x0], $0xffff  }
0x81: {  	v20 =	vand.u32 $0x3F, v26;
	v5 =	vadd.f32 v14, v5;
	v15 =	vadd.s32 $0xB, v3;
	v14 =	vld.idx.msk [tilespmem:v17+s14+$0x0], $0xffff  }
0x82: {  	v8 =	vsub.bf16 v12, v8;
	v11 =	vsub.bf16 v21, v11;
	v15 =	vand.u32 $0x3F, v15;
	v12 =	vld.idx.msk [tilespmem:v17+s15+$0x0], $0xffff  }
0x83: {  	v5 =	vadd.f32 v23, v5;
	v6 =	vadd.f32 v19, v6;
	v15 =	vor.u32 v2, v15  }
0x84: {  	v19 =	vadd.s32 $0x10, v3;
	v11 =	vmul.bf16 v11, v11;
	v10 =	vsub.bf16 v10, v22;
	v17 =	vld.idx.msk [tilespmem:v4+s15+$0x0], $0xffff  }
0x85: {  	v5 =	vadd.f32 v16, v5;
	v16 =	vmul.bf16 v8, v8;
	v8 =	vand.u32 $0x3F, v18;
	v21 =	vld.idx.msk [tilespmem:v13+s14+$0x0], $0xffff  }
0x86: {  	v18 =	vunpack.i.l.bf16.f32 v11;
	v10 =	vmul.bf16 v10, v10;
	v9 =	vsub.bf16 v25, v9;
	v22 =	vld.idx.msk [tilespmem:v13+s15+$0x0], $0xffff  }
0x87: {  	v5 =	vadd.f32 v7, v5;
	v23 =	vor.u32 v2, v8;
	v13 =	vunpack.i.l.bf16.f32 v16;
	v25 =	vld.idx.msk [tilespmem:v4+s14+$0x0], $0xffff  }
0x88: {  	v8 =	vunpack.i.u.bf16.f32 v11;
	v4 =	vmul.bf16 v9, v9;
	v9 =	vsub.bf16 v14, v12;
	v11 =	vld.idx.msk [tilespmem:v15+s14+$0x0], $0xffff  }
0x89: {  	v20 =	vor.u32 v2, v20;
	v3 =	vadd.s32 $0xE, v3;
	v6 =	vadd.f32 v18, v6;
	v18 =	vld.idx.msk [tilespmem:v15+s15+$0x0], $0xffff  }
0x8a: {  	v12 =	vadd.f32 v24, v5;
	v5 =	vunpack.i.u.bf16.f32 v4;
	v4 =	vunpack.i.l.bf16.f32 v4  }
.Ltmp0:
0x8b: {  	v3 =	vand.u32 $0x3F, v3;
	v7 =	vunpack.i.u.bf16.f32 v10;
	v14 =	vunpack.i.l.bf16.f32 v10;
	(pc) =	sbr.rel @p1 .LBB2_4-.Ltmp0, $4  }
0x8c: {  	v12 =	vadd.f32 v8, v12;
	v15 =	vadd.f32 v13, v6;
	v13 =	vor.u32 v2, v3;
	v8 =	vld.idx.msk [tilespmem:v23+s14+$0x0], $0xffff  }
0x8d: {  	v3 =	vunpack.i.u.bf16.f32 v16;
	v16 =	vsub.bf16 v21, v22;
	v6 =	vsub.bf16 v25, v17;
	v10 =	vld.idx.msk [tilespmem:v23+s15+$0x0], $0xffff  }
0x8e: {  	v12 =	vadd.f32 v3, v12;
	v17 =	vadd.f32 v14, v15;
	v14 =	vmul.bf16 v9, v9;
	v9 =	vld.idx.msk [tilespmem:v20+s14+$0x0], $0xffff  }
0x8f: {  	v3 =	vand.u32 $0x3F, v19;
	v15 =	vmul.bf16 v16, v16;
	v16 =	vsub.bf16 v11, v18;
	v11 =	vld.idx.msk [tilespmem:v20+s15+$0x0], $0xffff  }
0x90: {  	_ =	sdelay $0x2  }
0x91: {  	v2 =	vadd.f32 v7, v12  }
0x92: {  	v50 =	vld.idx.msk [tilespmem:v13+s14+$0x0], $0xffff  }
0x93: {  	v3 =	vadd.f32 v4, v17;
	v52 =	vld.idx.msk [tilespmem:v13+s15+$0x0], $0xffff;
	v2 =	vadd.f32 v5, v2  }
0x94: {  	v49 =	vunpack.i.l.bf16.f32 v14;
	v51 =	vunpack.i.u.bf16.f32 v14;
	v54 =	vmul.bf16 v16, v16  }
0x95: {  	v53 =	vunpack.i.l.bf16.f32 v15;
	v3 =	vadd.f32 v49, v3;
	v2 =	vadd.f32 v51, v2  }
0x96: {  	v55 =	vunpack.i.u.bf16.f32 v15;
	v8 =	vsub.bf16 v8, v10;
	v57 =	vunpack.i.l.bf16.f32 v54  }
0x97: {  	v10 =	vunpack.i.u.bf16.f32 v54;
	v3 =	vadd.f32 v53, v3;
	v2 =	vadd.f32 v55, v2  }
0x98: {  	v56 =	vmul.bf16 v8, v8;
	v9 =	vsub.bf16 v9, v11;
	v5 =	vsub.bf16 v50, v52  }
0x99: {  	v3 =	vadd.f32 v57, v3;
	v2 =	vadd.f32 v10, v2  }
0x9a: {  	v58 =	vunpack.i.u.bf16.f32 v56;
	v4 =	vunpack.i.l.bf16.f32 v56;
	v9 =	vmul.bf16 v9, v9  }
0x9b: {  	v3 =	vadd.f32 v4, v3;
	v2 =	vadd.f32 v58, v2  }
0x9c: {  	v5 =	vmul.bf16 v5, v5;
	v59 =	vunpack.i.l.bf16.f32 v9;
	v60 =	vunpack.i.u.bf16.f32 v9  }
0x9d: {  	v3 =	vadd.f32 v59, v3;
	v2 =	vadd.f32 v60, v2  }
0x9e: {  	v61 =	vmul.bf16 v6, v6;
	v62 =	vunpack.i.l.bf16.f32 v5;
	v5 =	vunpack.i.u.bf16.f32 v5  }
0x9f: {  	v3 =	vadd.f32 v62, v3;
	v2 =	vadd.f32 v5, v2  }
0xa0: {  	v63 =	vunpack.i.u.bf16.f32 v61;
	v4 =	vunpack.i.l.bf16.f32 v61  }
0xa1: {  	v3 =	vadd.f32 v4, v3;
	v2 =	vadd.f32 v63, v2;
	_ =	sdelay $0x1  }
0xa2: {  	v2 =	vadd.f32 v2, v3;
	_ =	sdelay $0x1  }
0xa3: {  	v2 =	vmul.f32 $-7.812500000e-03, v2;
	_ =	sdelay $0x1  }
0xa4: {  	v2 =	vmul.f32 $1.442695020e+00, v2;
	_ =	sdelay $0x1  }
0xa5: {  	(erf) = vpow2.f32 v2;
	_ =	sdelay $0x4  }
0xa6: {  	v2 =	vld.idx.msk [tilespmem:v1+s29+$0x0 ss:$0x1], $0xffff;
	_ =	sdelay $0x3  }
0xa7: {  	v3 =	vpop (erf)  }
0xa8: {  	s28 =	sadd.s32 $0x1, s28;
	v2 =	vsub.f32 v2, v3  }
0xa9: {  	p1 =	sne.s32 s28, $0x5  }
.Ltmp1:
0xaa: {  	v3 =	vmul.f32 $5.000000000e-01, v2;
	(pc) =	sbr.rel @p1 .LBB2_3-.Ltmp1, $3  }
0xab: {  	_ = 	snop  }
0xac: {  	v2 =	vmul.f32 v3, v2;
	_ =	sdelay $0x1  }
0xad: {  	v0 =	vadd.f32 v2, v0  }
0xae: {  	s28 =	sadd.s32 $0xA0, s26  }
0xaf: {  	[tilespmem:s14], [sflag:$0x1] =	stream.indirect.gather [spmem:s2], $0x40, s28, s13, $0xb8;
	[tilespmem:$0x16180] =	vst v63  }
0xb0: {  	s30 =	sadd.s32 $0x27B0, s26  }
0xb1: {  	[tilespmem:s15], [sflag:$0x2] =	stream.indirect.gather [spmem:s2], $0x40, s30, s13, $0xb8;
	[tilespmem:$0x16180] =	vst v63  }
0xb2: {  	_ =	swait.ge [sflag:s20], $0x1400  }
0xb3: {  	[sflag:s20] =	ssyncset.done $0x0  }
0xb4: {  	[sflag:s20] =	ssyncadd.s32 $0xFFFFEC00  }
0xb5: {  	_ =	swait.ge [sflag:s21], $0x1400  }
0xb6: {  	s31 =	sadd.s32 $0x4E20, s25;
	[sflag:s21] =	ssyncset.done $0x0  }
0xb7: {  	s25 =	simm.s32 $0x0;
	v1 =	vmov s31;
	[sflag:s21] =	ssyncadd.s32 $0xFFFFEC00  }
.LBB2_7:
0xb8: {  	s26 =	sshll.u32 s25, $0x4;
	v3 =	vlaneseq.u32  }
0xb9: {  	v2 =	vmov s26;
	v4 =	vmul.u32 $0x40, v3  }
0xba: {  	v2 =	vshll.u32 v2, $0x6  }
0xbb: {  	v2 =	vor.u32 v4, v2  }
0xbc: {  	v5 =	vadd.s32 $0x1, v3;
	v4 =	vor.u32 v2, v3  }
0xbd: {  	v5 =	vand.u32 $0x3F, v5  }
0xbe: {  	v6 =	vadd.s32 $0x2, v3;
	v5 =	vor.u32 v2, v5  }
0xbf: {  	v6 =	vand.u32 $0x3F, v6  }
0xc0: {  	v10 =	vadd.s32 $0x4, v3;
	v6 =	vor.u32 v2, v6  }
0xc1: {  	v10 =	vand.u32 $0x3F, v10;
	v7 =	vld.idx.msk [tilespmem:v4+s17+$0x0], $0xffff  }
0xc2: {  	v8 =	vadd.s32 $0x3, v3;
	v10 =	vor.u32 v2, v10;
	v4 =	vld.idx.msk [tilespmem:v4+s16+$0x0], $0xffff  }
0xc3: {  	v8 =	vand.u32 $0x3F, v8;
	v9 =	vld.idx.msk [tilespmem:v5+s16+$0x0], $0xffff  }
0xc4: {  	v8 =	vor.u32 v2, v8;
	v5 =	vld.idx.msk [tilespmem:v5+s17+$0x0], $0xffff  }
0xc5: {  	v12 =	vld.idx.msk [tilespmem:v6+s16+$0x0], $0xffff  }
0xc6: {  	v13 =	vimm.f32 $0.0e+00;
	v11 =	vadd.s32 $0xF, v3;
	v6 =	vld.idx.msk [tilespmem:v6+s17+$0x0], $0xffff  }
0xc7: {  	v14 =	vadd.s32 $0x7, v3;
	v15 =	vand.u32 $0x7, v3;
	v16 =	vadd.s32 $0xD, v3;
	v19 =	vld.idx.msk [tilespmem:v10+s16+$0x0], $0xffff  }
0xc8: {  	v17 =	vadd.s32 $0x5, v3;
	v18 =	vadd.s32 $0x6, v3;
	v20 =	vadd.s32 $0x8, v3;
	v10 =	vld.idx.msk [tilespmem:v10+s17+$0x0], $0xffff  }
0xc9: {  	v60 =	vadd.s32 $0x10, v3;
	v11 =	vand.u32 $0x3F, v11;
	v4 =	vsub.bf16 v4, v7;
	v7 =	vld.idx.msk [tilespmem:v8+s16+$0x0], $0xffff  }
0xca: {  	v14 =	vand.u32 $0x3F, v14;
	v8 =	vld.idx.msk [tilespmem:v8+s17+$0x0], $0xffff;
	v5 =	vsub.bf16 v9, v5;
	v9 =	vand.u32 $0x3F, v18  }
0xcb: {  	v17 =	vand.u32 $0x3F, v17;
	v16 =	vand.u32 $0x3F, v16;
	v9 =	vor.u32 v2, v9  }
0xcc: {  	v11 =	vor.u32 v2, v11;
	v17 =	vor.u32 v2, v17;
	v63 =	vor.u32 v2, v16  }
0xcd: {  	v18 =	vadd.s32 $0x9, v3;
	v6 =	vsub.bf16 v12, v6;
	v10 =	vsub.bf16 v19, v10  }
0xce: {  	v18 =	vand.u32 $0x3F, v18;
	v4 =	vmul.bf16 v4, v4;
	v5 =	vmul.bf16 v5, v5  }
0xcf: {  	v7 =	vsub.bf16 v7, v8;
	v8 =	vor.u32 v2, v14;
	v14 =	vand.u32 $0x38, v20  }
0xd0: {  	v12 =	vunpack.i.u.bf16.f32 v4;
	v4 =	vunpack.i.l.bf16.f32 v4;
	v22 =	vld.idx.msk [tilespmem:v9+s17+$0x0], $0xffff;
	v14 =	vor.u32 v14, v15  }
0xd1: {  	v6 =	vmul.bf16 v6, v6;
	v4 =	vadd.f32 v4, v13;
	v9 =	vld.idx.msk [tilespmem:v9+s16+$0x0], $0xffff;
	v14 =	vor.u32 v2, v14  }
0xd2: {  	v10 =	vmul.bf16 v10, v10;
	v21 =	vunpack.i.u.bf16.f32 v5;
	v5 =	vunpack.i.l.bf16.f32 v5;
	v15 =	vld.idx.msk [tilespmem:v17+s16+$0x0], $0xffff  }
0xd3: {  	v59 =	vunpack.i.u.bf16.f32 v6;
	v4 =	vadd.f32 v5, v4;
	v5 =	vld.idx.msk [tilespmem:v17+s17+$0x0], $0xffff;
	v17 =	vor.u32 v2, v18  }
0xd4: {  	v6 =	vunpack.i.l.bf16.f32 v6;
	v24 =	vunpack.i.u.bf16.f32 v10;
	v7 =	vmul.bf16 v7, v7;
	v23 =	vld.idx.msk [tilespmem:v8+s17+$0x0], $0xffff  }
0xd5: {  	v10 =	vunpack.i.l.bf16.f32 v10;
	v18 =	vadd.s32 $0xA, v3;
	v4 =	vadd.f32 v6, v4;
	v8 =	vld.idx.msk [tilespmem:v8+s16+$0x0], $0xffff  }
0xd6: {  	v12 =	vadd.f32 v12, v13;
	v19 =	vunpack.i.l.bf16.f32 v7;
	v6 =	vand.u32 $0x3F, v18;
	v25 =	vld.idx.msk [tilespmem:v14+s16+$0x0], $0xffff  }
0xd7: {  	v13 =	vadd.s32 $0xB, v3;
	v6 =	vor.u32 v2, v6;
	v4 =	vadd.f32 v19, v4;
	v14 =	vld.idx.msk [tilespmem:v14+s17+$0x0], $0xffff  }
0xd8: {  	v13 =	vand.u32 $0x3F, v13;
	v12 =	vadd.f32 v21, v12;
	v18 =	vadd.s32 $0xC, v3;
	v19 =	vld.idx.msk [tilespmem:v17+s16+$0x0], $0xffff  }
0xd9: {  	v5 =	vsub.bf16 v15, v5;
	v15 =	vld.idx.msk [tilespmem:v17+s17+$0x0], $0xffff;
	v4 =	vadd.f32 v10, v4;
	v10 =	vor.u32 v2, v13  }
0xda: {  	v7 =	vunpack.i.u.bf16.f32 v7;
	v12 =	vadd.f32 v59, v12;
	v3 =	vadd.s32 $0xE, v3;
	v17 =	vld.idx.msk [tilespmem:v11+s17+$0x0], $0xffff  }
0xdb: {  	v3 =	vand.u32 $0x3F, v3;
	v9 =	vsub.bf16 v9, v22;
	v11 =	vld.idx.msk [tilespmem:v11+s16+$0x0], $0xffff;
	v5 =	vmul.bf16 v5, v5  }
0xdc: {  	v7 =	vadd.f32 v7, v12;
	v13 =	vand.u32 $0x3F, v18;
	v8 =	vsub.bf16 v8, v23;
	v18 =	vld.idx.msk [tilespmem:v6+s16+$0x0], $0xffff  }
0xdd: {  	v9 =	vmul.bf16 v9, v9;
	v62 =	vor.u32 v2, v13;
	v6 =	vld.idx.msk [tilespmem:v6+s17+$0x0], $0xffff;
	v61 =	vunpack.i.l.bf16.f32 v5  }
0xde: {  	v8 =	vmul.bf16 v8, v8;
	v14 =	vsub.bf16 v25, v14;
	v15 =	vsub.bf16 v19, v15;
	v19 =	vld.idx.msk [tilespmem:v10+s16+$0x0], $0xffff  }
0xdf: {  	v12 =	vunpack.i.l.bf16.f32 v9;
	v20 =	vadd.f32 v61, v4;
	v16 =	vld.idx.msk [tilespmem:v10+s17+$0x0], $0xffff;
	v10 =	vadd.f32 v24, v7  }
0xe0: {  	v13 =	vunpack.i.u.bf16.f32 v5;
	v14 =	vmul.bf16 v14, v14;
	v7 =	vunpack.i.u.bf16.f32 v8  }
0xe1: {  	v20 =	vadd.f32 v12, v20;
	v24 =	vadd.f32 v13, v10;
	v13 =	vor.u32 v2, v3  }
0xe2: {  	v3 =	vunpack.i.u.bf16.f32 v9;
	v18 =	vsub.bf16 v18, v6;
	v10 =	vld.idx.msk [tilespmem:v62+s17+$0x0], $0xffff;
	v6 =	vsub.bf16 v11, v17  }
0xe3: {  	v9 =	vld.idx.msk [tilespmem:v63+s16+$0x0], $0xffff;
	v5 =	vunpack.i.u.bf16.f32 v14;
	v4 =	vunpack.i.l.bf16.f32 v14;
	v14 =	vunpack.i.l.bf16.f32 v8  }
0xe4: {  	v11 =	vld.idx.msk [tilespmem:v63+s17+$0x0], $0xffff;
	v12 =	vadd.f32 v3, v24;
	v17 =	vadd.f32 v14, v20;
	v14 =	vmul.bf16 v15, v15  }
0xe5: {  	s28 =	simm.s32 $0x3;
	v8 =	vld.idx.msk [tilespmem:v62+s16+$0x0], $0xffff;
	v15 =	vmul.bf16 v18, v18;
	v3 =	vand.u32 $0x3F, v60;
	v16 =	vsub.bf16 v19, v16  }
.LBB2_8:
0xe6: {  	v18 =	vadd.s32 $0xF, v3;
	p1 =	sne.s32 s28, $0x1;
	s28 =	sadd.s32 $0xFFFFFFFF, s28;
	v17 =	vadd.f32 v4, v17;
	v19 =	vunpack.i.l.bf16.f32 v14  }
0xe7: {  	v4 =	vand.u32 $0x3F, v18;
	v18 =	vunpack.i.l.bf16.f32 v15;
	v16 =	vmul.bf16 v16, v16;
	v20 =	vld.idx.msk [tilespmem:v13+s16+$0x0], $0xffff  }
0xe8: {  	v15 =	vunpack.i.u.bf16.f32 v15;
	v4 =	vor.u32 v2, v4;
	v17 =	vadd.f32 v19, v17;
	v13 =	vld.idx.msk [tilespmem:v13+s17+$0x0], $0xffff  }
0xe9: {  	v21 =	vadd.s32 $0x1, v3;
	v14 =	vunpack.i.u.bf16.f32 v14;
	v19 =	vor.u32 v2, v3  }
0xea: {  	v21 =	vand.u32 $0x3F, v21;
	v17 =	vadd.f32 v18, v17;
	v18 =	vunpack.i.l.bf16.f32 v16  }
0xeb: {  	v22 =	vadd.s32 $0x2, v3;
	v21 =	vor.u32 v2, v21;
	v8 =	vsub.bf16 v8, v10  }
0xec: {  	v10 =	vand.u32 $0x3F, v22;
	v16 =	vunpack.i.u.bf16.f32 v16;
	v17 =	vadd.f32 v18, v17  }
0xed: {  	v10 =	vor.u32 v2, v10;
	v8 =	vmul.bf16 v8, v8;
	v9 =	vsub.bf16 v9, v11  }
0xee: {  	v7 =	vadd.f32 v7, v12;
	v18 =	vadd.s32 $0x3, v3;
	v11 =	vld.idx.msk [tilespmem:v19+s17+$0x0], $0xffff  }
0xef: {  	v6 =	vmul.bf16 v6, v6;
	v18 =	vand.u32 $0x3F, v18;
	v12 =	vld.idx.msk [tilespmem:v19+s16+$0x0], $0xffff;
	v19 =	vunpack.i.u.bf16.f32 v8  }
0xf0: {  	v9 =	vmul.bf16 v9, v9;
	v18 =	vor.u32 v2, v18;
	v8 =	vunpack.i.l.bf16.f32 v8;
	v22 =	vld.idx.msk [tilespmem:v21+s16+$0x0], $0xffff  }
0xf1: {  	v13 =	vsub.bf16 v20, v13;
	v20 =	vunpack.i.u.bf16.f32 v6;
	v6 =	vunpack.i.l.bf16.f32 v6;
	v21 =	vld.idx.msk [tilespmem:v21+s17+$0x0], $0xffff  }
0xf2: {  	v24 =	vadd.s32 $0x4, v3;
	v25 =	vand.u32 $0x7, v3;
	v26 =	vadd.s32 $0xD, v3;
	v23 =	vld.idx.msk [tilespmem:v10+s16+$0x0], $0xffff  }
0xf3: {  	v27 =	vadd.s32 $0x7, v3;
	v24 =	vand.u32 $0x3F, v24;
	v28 =	vunpack.i.l.bf16.f32 v9;
	v10 =	vld.idx.msk [tilespmem:v10+s17+$0x0], $0xffff  }
0xf4: {  	v27 =	vand.u32 $0x3F, v27;
	v24 =	vor.u32 v2, v24;
	v9 =	vunpack.i.u.bf16.f32 v9  }
0xf5: {  	v29 =	vadd.s32 $0x5, v3;
	v8 =	vadd.f32 v8, v17;
	v11 =	vsub.bf16 v12, v11;
	v12 =	vld.idx.msk [tilespmem:v18+s16+$0x0], $0xffff  }
0xf6: {  	v5 =	vadd.f32 v5, v7;
	v17 =	vld.idx.msk [tilespmem:v18+s17+$0x0], $0xffff;
	v18 =	vand.u32 $0x3F, v29;
	v29 =	vadd.s32 $0x9, v3  }
0xf7: {  	v13 =	vmul.bf16 v13, v13;
	v7 =	vmul.bf16 v11, v11;
	v11 =	vsub.bf16 v22, v21  }
0xf8: {  	v5 =	vadd.f32 v14, v5;
	v21 =	vadd.s32 $0x6, v3;
	v22 =	vadd.s32 $0x8, v3  }
0xf9: {  	v8 =	vadd.f32 v28, v8;
	v14 =	vunpack.i.u.bf16.f32 v7;
	v7 =	vunpack.i.l.bf16.f32 v7;
	v30 =	vld.idx.msk [tilespmem:v24+s16+$0x0], $0xffff  }
0xfa: {  	v5 =	vadd.f32 v15, v5;
	v21 =	vand.u32 $0x3F, v21;
	v11 =	vmul.bf16 v11, v11;
	v24 =	vld.idx.msk [tilespmem:v24+s17+$0x0], $0xffff  }
0xfb: {  	v10 =	vsub.bf16 v23, v10;
	v15 =	vor.u32 v2, v21;
	v21 =	vunpack.i.l.bf16.f32 v13  }
0xfc: {  	v8 =	vadd.f32 v21, v8;
	v23 =	vunpack.i.u.bf16.f32 v11;
	v11 =	vunpack.i.l.bf16.f32 v11  }
0xfd: {  	v10 =	vmul.bf16 v10, v10;
	v12 =	vsub.bf16 v12, v17;
	v17 =	vor.u32 v2, v18  }
0xfe: {  	v5 =	vadd.f32 v16, v5;
	v21 =	vand.u32 $0x38, v22;
	v18 =	vor.u32 v2, v27  }
0xff: {  	v6 =	vadd.f32 v6, v8;
	v16 =	vunpack.i.u.bf16.f32 v10;
	v10 =	vunpack.i.l.bf16.f32 v10  }
0x100: {  	v5 =	vadd.f32 v19, v5;
	v13 =	vunpack.i.u.bf16.f32 v13;
	v21 =	vor.u32 v21, v25;
	v8 =	vld.idx.msk [tilespmem:v15+s17+$0x0], $0xffff  }
0x101: {  	v6 =	vadd.f32 v7, v6;
	v7 =	vmul.bf16 v12, v12;
	v12 =	vld.idx.msk [tilespmem:v15+s16+$0x0], $0xffff;
	v15 =	vor.u32 v2, v21  }
0x102: {  	v5 =	vadd.f32 v9, v5;
	v22 =	vand.u32 $0x3F, v29;
	v19 =	vsub.bf16 v30, v24;
	v21 =	vld.idx.msk [tilespmem:v17+s16+$0x0], $0xffff  }
0x103: {  	v6 =	vadd.f32 v11, v6;
	v9 =	vunpack.i.l.bf16.f32 v7;
	v11 =	vld.idx.msk [tilespmem:v17+s17+$0x0], $0xffff;
	v17 =	vor.u32 v2, v22  }
0x104: {  	v5 =	vadd.f32 v13, v5;
	v24 =	vadd.s32 $0xA, v3;
	v19 =	vmul.bf16 v19, v19;
	v22 =	vld.idx.msk [tilespmem:v18+s17+$0x0], $0xffff  }
0x105: {  	v13 =	vand.u32 $0x3F, v24;
	v6 =	vadd.f32 v10, v6;
	v10 =	vld.idx.msk [tilespmem:v18+s16+$0x0], $0xffff;
	v18 =	vadd.s32 $0xC, v3  }
0x106: {  	v5 =	vadd.f32 v20, v5;
	v24 =	vunpack.i.u.bf16.f32 v19;
	v19 =	vunpack.i.l.bf16.f32 v19;
	v25 =	vld.idx.msk [tilespmem:v15+s16+$0x0], $0xffff  }
0x107: {  	v7 =	vunpack.i.u.bf16.f32 v7;
	v13 =	vor.u32 v2, v13;
	v6 =	vadd.f32 v9, v6;
	v9 =	vld.idx.msk [tilespmem:v15+s17+$0x0], $0xffff  }
0x108: {  	v20 =	vand.u32 $0x3F, v26;
	v5 =	vadd.f32 v14, v5;
	v15 =	vadd.s32 $0xB, v3;
	v14 =	vld.idx.msk [tilespmem:v17+s16+$0x0], $0xffff  }
0x109: {  	v8 =	vsub.bf16 v12, v8;
	v11 =	vsub.bf16 v21, v11;
	v15 =	vand.u32 $0x3F, v15;
	v12 =	vld.idx.msk [tilespmem:v17+s17+$0x0], $0xffff  }
0x10a: {  	v5 =	vadd.f32 v23, v5;
	v6 =	vadd.f32 v19, v6;
	v15 =	vor.u32 v2, v15  }
0x10b: {  	v19 =	vadd.s32 $0x10, v3;
	v11 =	vmul.bf16 v11, v11;
	v10 =	vsub.bf16 v10, v22;
	v17 =	vld.idx.msk [tilespmem:v4+s17+$0x0], $0xffff  }
0x10c: {  	v5 =	vadd.f32 v16, v5;
	v16 =	vmul.bf16 v8, v8;
	v8 =	vand.u32 $0x3F, v18;
	v21 =	vld.idx.msk [tilespmem:v13+s16+$0x0], $0xffff  }
0x10d: {  	v18 =	vunpack.i.l.bf16.f32 v11;
	v10 =	vmul.bf16 v10, v10;
	v9 =	vsub.bf16 v25, v9;
	v22 =	vld.idx.msk [tilespmem:v13+s17+$0x0], $0xffff  }
0x10e: {  	v5 =	vadd.f32 v7, v5;
	v23 =	vor.u32 v2, v8;
	v13 =	vunpack.i.l.bf16.f32 v16;
	v25 =	vld.idx.msk [tilespmem:v4+s16+$0x0], $0xffff  }
0x10f: {  	v8 =	vunpack.i.u.bf16.f32 v11;
	v4 =	vmul.bf16 v9, v9;
	v9 =	vsub.bf16 v14, v12;
	v11 =	vld.idx.msk [tilespmem:v15+s16+$0x0], $0xffff  }
0x110: {  	v20 =	vor.u32 v2, v20;
	v3 =	vadd.s32 $0xE, v3;
	v6 =	vadd.f32 v18, v6;
	v18 =	vld.idx.msk [tilespmem:v15+s17+$0x0], $0xffff  }
0x111: {  	v12 =	vadd.f32 v24, v5;
	v5 =	vunpack.i.u.bf16.f32 v4;
	v4 =	vunpack.i.l.bf16.f32 v4  }
.Ltmp2:
0x112: {  	v3 =	vand.u32 $0x3F, v3;
	v7 =	vunpack.i.u.bf16.f32 v10;
	v14 =	vunpack.i.l.bf16.f32 v10;
	(pc) =	sbr.rel @p1 .LBB2_8-.Ltmp2, $4  }
0x113: {  	v12 =	vadd.f32 v8, v12;
	v15 =	vadd.f32 v13, v6;
	v13 =	vor.u32 v2, v3;
	v8 =	vld.idx.msk [tilespmem:v23+s16+$0x0], $0xffff  }
0x114: {  	v3 =	vunpack.i.u.bf16.f32 v16;
	v16 =	vsub.bf16 v21, v22;
	v6 =	vsub.bf16 v25, v17;
	v10 =	vld.idx.msk [tilespmem:v23+s17+$0x0], $0xffff  }
0x115: {  	v12 =	vadd.f32 v3, v12;
	v17 =	vadd.f32 v14, v15;
	v14 =	vmul.bf16 v9, v9;
	v9 =	vld.idx.msk [tilespmem:v20+s16+$0x0], $0xffff  }
0x116: {  	v3 =	vand.u32 $0x3F, v19;
	v15 =	vmul.bf16 v16, v16;
	v16 =	vsub.bf16 v11, v18;
	v11 =	vld.idx.msk [tilespmem:v20+s17+$0x0], $0xffff  }
0x117: {  	_ =	sdelay $0x2  }
0x118: {  	v2 =	vadd.f32 v7, v12  }
0x119: {  	v50 =	vld.idx.msk [tilespmem:v13+s16+$0x0], $0xffff  }
0x11a: {  	v3 =	vadd.f32 v4, v17;
	v52 =	vld.idx.msk [tilespmem:v13+s17+$0x0], $0xffff;
	v2 =	vadd.f32 v5, v2  }
0x11b: {  	v49 =	vunpack.i.l.bf16.f32 v14;
	v51 =	vunpack.i.u.bf16.f32 v14;
	v54 =	vmul.bf16 v16, v16  }
0x11c: {  	v53 =	vunpack.i.l.bf16.f32 v15;
	v3 =	vadd.f32 v49, v3;
	v2 =	vadd.f32 v51, v2  }
0x11d: {  	v55 =	vunpack.i.u.bf16.f32 v15;
	v8 =	vsub.bf16 v8, v10;
	v57 =	vunpack.i.l.bf16.f32 v54  }
0x11e: {  	v10 =	vunpack.i.u.bf16.f32 v54;
	v3 =	vadd.f32 v53, v3;
	v2 =	vadd.f32 v55, v2  }
0x11f: {  	v56 =	vmul.bf16 v8, v8;
	v9 =	vsub.bf16 v9, v11;
	v5 =	vsub.bf16 v50, v52  }
0x120: {  	v3 =	vadd.f32 v57, v3;
	v2 =	vadd.f32 v10, v2  }
0x121: {  	v58 =	vunpack.i.u.bf16.f32 v56;
	v4 =	vunpack.i.l.bf16.f32 v56;
	v9 =	vmul.bf16 v9, v9  }
0x122: {  	v3 =	vadd.f32 v4, v3;
	v2 =	vadd.f32 v58, v2  }
0x123: {  	v5 =	vmul.bf16 v5, v5;
	v59 =	vunpack.i.l.bf16.f32 v9;
	v60 =	vunpack.i.u.bf16.f32 v9  }
0x124: {  	v3 =	vadd.f32 v59, v3;
	v2 =	vadd.f32 v60, v2  }
0x125: {  	v61 =	vmul.bf16 v6, v6;
	v62 =	vunpack.i.l.bf16.f32 v5;
	v5 =	vunpack.i.u.bf16.f32 v5  }
0x126: {  	v3 =	vadd.f32 v62, v3;
	v2 =	vadd.f32 v5, v2  }
0x127: {  	v63 =	vunpack.i.u.bf16.f32 v61;
	v4 =	vunpack.i.l.bf16.f32 v61  }
0x128: {  	v3 =	vadd.f32 v4, v3;
	v2 =	vadd.f32 v63, v2;
	_ =	sdelay $0x1  }
0x129: {  	v2 =	vadd.f32 v2, v3;
	_ =	sdelay $0x1  }
0x12a: {  	v2 =	vmul.f32 $-7.812500000e-03, v2;
	_ =	sdelay $0x1  }
0x12b: {  	v2 =	vmul.f32 $1.442695020e+00, v2;
	_ =	sdelay $0x1  }
0x12c: {  	(erf) = vpow2.f32 v2;
	_ =	sdelay $0x4  }
0x12d: {  	v2 =	vld.idx.msk [tilespmem:v1+s26+$0x0 ss:$0x1], $0xffff;
	_ =	sdelay $0x3  }
0x12e: {  	v3 =	vpop (erf)  }
0x12f: {  	s25 =	sadd.s32 $0x1, s25;
	v2 =	vsub.f32 v2, v3  }
0x130: {  	p1 =	sne.s32 s25, $0x5  }
.Ltmp3:
0x131: {  	v3 =	vmul.f32 $5.000000000e-01, v2;
	(pc) =	sbr.rel @p1 .LBB2_7-.Ltmp3, $3  }
0x132: {  	_ = 	snop  }
0x133: {  	v2 =	vmul.f32 v3, v2;
	_ =	sdelay $0x1  }
0x134: {  	v0 =	vadd.f32 v2, v0  }
0x135: {  	s24 =	sadd.s32 $0x1, s24  }
0x136: {  	p1 =	sne.s32 s24, $0x3E  }
.Ltmp4:
0x137: {  	_ = 	snop;
	(pc) =	sbr.rel @p1 .LBB2_2-.Ltmp4, $1  }
0x138: {  	_ =	sdelay $0x3  }
0x139: {  	_ =	swait.ge [sflag:s18], $0x1400  }
0x13a: {  	[sflag:s18] =	ssyncset.done $0x0  }
0x13b: {  	[sflag:s18] =	ssyncadd.s32 $0xFFFFEC00  }
0x13c: {  	_ =	swait.ge [sflag:s19], $0x1400  }
0x13d: {  	[sflag:s19] =	ssyncset.done $0x0  }
0x13e: {  	s24 =	simm.s32 $0x0;
	[sflag:s19] =	ssyncadd.s32 $0xFFFFEC00  }
.LBB2_12:
0x13f: {  	s25 =	sshll.u32 s24, $0x4;
	v2 =	vlaneseq.u32  }
0x140: {  	v1 =	vmov s25;
	v3 =	vmul.u32 $0x40, v2  }
0x141: {  	v1 =	vshll.u32 v1, $0x6  }
0x142: {  	v1 =	vor.u32 v3, v1  }
0x143: {  	v4 =	vadd.s32 $0x1, v2;
	v3 =	vor.u32 v1, v2  }
0x144: {  	v4 =	vand.u32 $0x3F, v4  }
0x145: {  	v5 =	vadd.s32 $0x2, v2;
	v4 =	vor.u32 v1, v4  }
0x146: {  	v5 =	vand.u32 $0x3F, v5  }
0x147: {  	v9 =	vadd.s32 $0x4, v2;
	v5 =	vor.u32 v1, v5  }
0x148: {  	v9 =	vand.u32 $0x3F, v9;
	v6 =	vld.idx.msk [tilespmem:v3+s15+$0x0], $0xffff  }
0x149: {  	v7 =	vadd.s32 $0x3, v2;
	v9 =	vor.u32 v1, v9;
	v3 =	vld.idx.msk [tilespmem:v3+s14+$0x0], $0xffff  }
0x14a: {  	v7 =	vand.u32 $0x3F, v7;
	v8 =	vld.idx.msk [tilespmem:v4+s14+$0x0], $0xffff  }
0x14b: {  	v7 =	vor.u32 v1, v7;
	v4 =	vld.idx.msk [tilespmem:v4+s15+$0x0], $0xffff  }
0x14c: {  	v11 =	vld.idx.msk [tilespmem:v5+s14+$0x0], $0xffff  }
0x14d: {  	v12 =	vimm.f32 $0.0e+00;
	v10 =	vadd.s32 $0xF, v2;
	v5 =	vld.idx.msk [tilespmem:v5+s15+$0x0], $0xffff  }
0x14e: {  	v13 =	vadd.s32 $0x7, v2;
	v14 =	vand.u32 $0x7, v2;
	v15 =	vadd.s32 $0xD, v2;
	v18 =	vld.idx.msk [tilespmem:v9+s14+$0x0], $0xffff  }
0x14f: {  	v16 =	vadd.s32 $0x5, v2;
	v17 =	vadd.s32 $0x6, v2;
	v19 =	vadd.s32 $0x8, v2;
	v9 =	vld.idx.msk [tilespmem:v9+s15+$0x0], $0xffff  }
0x150: {  	v61 =	vadd.s32 $0x10, v2;
	v10 =	vand.u32 $0x3F, v10;
	v3 =	vsub.bf16 v3, v6;
	v6 =	vld.idx.msk [tilespmem:v7+s14+$0x0], $0xffff  }
0x151: {  	v13 =	vand.u32 $0x3F, v13;
	v7 =	vld.idx.msk [tilespmem:v7+s15+$0x0], $0xffff;
	v4 =	vsub.bf16 v8, v4;
	v8 =	vand.u32 $0x3F, v17  }
0x152: {  	v16 =	vand.u32 $0x3F, v16;
	v15 =	vand.u32 $0x3F, v15;
	v8 =	vor.u32 v1, v8  }
0x153: {  	v10 =	vor.u32 v1, v10;
	v16 =	vor.u32 v1, v16;
	v63 =	vor.u32 v1, v15  }
0x154: {  	v17 =	vadd.s32 $0x9, v2;
	v5 =	vsub.bf16 v11, v5;
	v9 =	vsub.bf16 v18, v9  }
0x155: {  	v17 =	vand.u32 $0x3F, v17;
	v3 =	vmul.bf16 v3, v3;
	v4 =	vmul.bf16 v4, v4  }
0x156: {  	v6 =	vsub.bf16 v6, v7;
	v7 =	vor.u32 v1, v13;
	v13 =	vand.u32 $0x38, v19  }
0x157: {  	v11 =	vunpack.i.u.bf16.f32 v3;
	v3 =	vunpack.i.l.bf16.f32 v3;
	v21 =	vld.idx.msk [tilespmem:v8+s15+$0x0], $0xffff;
	v13 =	vor.u32 v13, v14  }
0x158: {  	v9 =	vmul.bf16 v9, v9;
	v3 =	vadd.f32 v3, v12;
	v8 =	vld.idx.msk [tilespmem:v8+s14+$0x0], $0xffff;
	v13 =	vor.u32 v1, v13  }
0x159: {  	v5 =	vmul.bf16 v5, v5;
	v20 =	vunpack.i.u.bf16.f32 v4;
	v4 =	vunpack.i.l.bf16.f32 v4;
	v14 =	vld.idx.msk [tilespmem:v16+s14+$0x0], $0xffff  }
0x15a: {  	v23 =	vunpack.i.u.bf16.f32 v9;
	v3 =	vadd.f32 v4, v3;
	v4 =	vld.idx.msk [tilespmem:v16+s15+$0x0], $0xffff;
	v16 =	vor.u32 v1, v17  }
0x15b: {  	v19 =	vunpack.i.u.bf16.f32 v5;
	v5 =	vunpack.i.l.bf16.f32 v5;
	v6 =	vmul.bf16 v6, v6;
	v22 =	vld.idx.msk [tilespmem:v7+s15+$0x0], $0xffff  }
0x15c: {  	v9 =	vunpack.i.l.bf16.f32 v9;
	v17 =	vadd.s32 $0xA, v2;
	v3 =	vadd.f32 v5, v3;
	v7 =	vld.idx.msk [tilespmem:v7+s14+$0x0], $0xffff  }
0x15d: {  	v11 =	vadd.f32 v11, v12;
	v18 =	vunpack.i.l.bf16.f32 v6;
	v5 =	vand.u32 $0x3F, v17;
	v24 =	vld.idx.msk [tilespmem:v13+s14+$0x0], $0xffff  }
0x15e: {  	v12 =	vadd.s32 $0xB, v2;
	v5 =	vor.u32 v1, v5;
	v3 =	vadd.f32 v18, v3;
	v13 =	vld.idx.msk [tilespmem:v13+s15+$0x0], $0xffff  }
0x15f: {  	v12 =	vand.u32 $0x3F, v12;
	v11 =	vadd.f32 v20, v11;
	v17 =	vadd.s32 $0xC, v2;
	v18 =	vld.idx.msk [tilespmem:v16+s14+$0x0], $0xffff  }
0x160: {  	v4 =	vsub.bf16 v14, v4;
	v14 =	vld.idx.msk [tilespmem:v16+s15+$0x0], $0xffff;
	v3 =	vadd.f32 v9, v3;
	v9 =	vor.u32 v1, v12  }
0x161: {  	v6 =	vunpack.i.u.bf16.f32 v6;
	v11 =	vadd.f32 v19, v11;
	v2 =	vadd.s32 $0xE, v2;
	v16 =	vld.idx.msk [tilespmem:v10+s15+$0x0], $0xffff  }
0x162: {  	v2 =	vand.u32 $0x3F, v2;
	v8 =	vsub.bf16 v8, v21;
	v10 =	vld.idx.msk [tilespmem:v10+s14+$0x0], $0xffff;
	v4 =	vmul.bf16 v4, v4  }
0x163: {  	v6 =	vadd.f32 v6, v11;
	v12 =	vand.u32 $0x3F, v17;
	v7 =	vsub.bf16 v7, v22;
	v17 =	vld.idx.msk [tilespmem:v5+s14+$0x0], $0xffff  }
0x164: {  	v8 =	vmul.bf16 v8, v8;
	v62 =	vor.u32 v1, v12;
	v5 =	vld.idx.msk [tilespmem:v5+s15+$0x0], $0xffff;
	v19 =	vunpack.i.l.bf16.f32 v4  }
0x165: {  	v7 =	vmul.bf16 v7, v7;
	v13 =	vsub.bf16 v24, v13;
	v14 =	vsub.bf16 v18, v14;
	v18 =	vld.idx.msk [tilespmem:v9+s14+$0x0], $0xffff  }
0x166: {  	v11 =	vunpack.i.l.bf16.f32 v8;
	v19 =	vadd.f32 v19, v3;
	v15 =	vld.idx.msk [tilespmem:v9+s15+$0x0], $0xffff;
	v9 =	vadd.f32 v23, v6  }
0x167: {  	v12 =	vunpack.i.u.bf16.f32 v4;
	v13 =	vmul.bf16 v13, v13;
	v6 =	vunpack.i.u.bf16.f32 v7  }
0x168: {  	v19 =	vadd.f32 v11, v19;
	v23 =	vadd.f32 v12, v9;
	v12 =	vor.u32 v1, v2  }
0x169: {  	v2 =	vunpack.i.u.bf16.f32 v8;
	v17 =	vsub.bf16 v17, v5;
	v9 =	vld.idx.msk [tilespmem:v62+s15+$0x0], $0xffff;
	v5 =	vsub.bf16 v10, v16  }
0x16a: {  	v8 =	vld.idx.msk [tilespmem:v63+s14+$0x0], $0xffff;
	v4 =	vunpack.i.u.bf16.f32 v13;
	v3 =	vunpack.i.l.bf16.f32 v13;
	v13 =	vunpack.i.l.bf16.f32 v7  }
0x16b: {  	v10 =	vld.idx.msk [tilespmem:v63+s15+$0x0], $0xffff;
	v11 =	vadd.f32 v2, v23;
	v16 =	vadd.f32 v13, v19;
	v13 =	vmul.bf16 v14, v14  }
0x16c: {  	s26 =	simm.s32 $0x3;
	v7 =	vld.idx.msk [tilespmem:v62+s14+$0x0], $0xffff;
	v14 =	vmul.bf16 v17, v17;
	v2 =	vand.u32 $0x3F, v61;
	v15 =	vsub.bf16 v18, v15  }
.LBB2_13:
0x16d: {  	v17 =	vadd.s32 $0xF, v2;
	p1 =	sne.s32 s26, $0x1;
	s26 =	sadd.s32 $0xFFFFFFFF, s26;
	v16 =	vadd.f32 v3, v16;
	v18 =	vunpack.i.l.bf16.f32 v13  }
0x16e: {  	v3 =	vand.u32 $0x3F, v17;
	v17 =	vunpack.i.l.bf16.f32 v14;
	v15 =	vmul.bf16 v15, v15;
	v19 =	vld.idx.msk [tilespmem:v12+s14+$0x0], $0xffff  }
0x16f: {  	v14 =	vunpack.i.u.bf16.f32 v14;
	v3 =	vor.u32 v1, v3;
	v16 =	vadd.f32 v18, v16;
	v12 =	vld.idx.msk [tilespmem:v12+s15+$0x0], $0xffff  }
0x170: {  	v20 =	vadd.s32 $0x1, v2;
	v13 =	vunpack.i.u.bf16.f32 v13;
	v18 =	vor.u32 v1, v2  }
0x171: {  	v20 =	vand.u32 $0x3F, v20;
	v16 =	vadd.f32 v17, v16;
	v17 =	vunpack.i.l.bf16.f32 v15  }
0x172: {  	v21 =	vadd.s32 $0x2, v2;
	v20 =	vor.u32 v1, v20;
	v7 =	vsub.bf16 v7, v9  }
0x173: {  	v9 =	vand.u32 $0x3F, v21;
	v15 =	vunpack.i.u.bf16.f32 v15;
	v16 =	vadd.f32 v17, v16  }
0x174: {  	v9 =	vor.u32 v1, v9;
	v7 =	vmul.bf16 v7, v7;
	v8 =	vsub.bf16 v8, v10  }
0x175: {  	v6 =	vadd.f32 v6, v11;
	v17 =	vadd.s32 $0x3, v2;
	v10 =	vld.idx.msk [tilespmem:v18+s15+$0x0], $0xffff  }
0x176: {  	v5 =	vmul.bf16 v5, v5;
	v17 =	vand.u32 $0x3F, v17;
	v11 =	vld.idx.msk [tilespmem:v18+s14+$0x0], $0xffff;
	v18 =	vunpack.i.u.bf16.f32 v7  }
0x177: {  	v8 =	vmul.bf16 v8, v8;
	v17 =	vor.u32 v1, v17;
	v7 =	vunpack.i.l.bf16.f32 v7;
	v21 =	vld.idx.msk [tilespmem:v20+s14+$0x0], $0xffff  }
0x178: {  	v12 =	vsub.bf16 v19, v12;
	v19 =	vunpack.i.u.bf16.f32 v5;
	v5 =	vunpack.i.l.bf16.f32 v5;
	v20 =	vld.idx.msk [tilespmem:v20+s15+$0x0], $0xffff  }
0x179: {  	v23 =	vadd.s32 $0x4, v2;
	v24 =	vand.u32 $0x7, v2;
	v25 =	vadd.s32 $0xD, v2;
	v22 =	vld.idx.msk [tilespmem:v9+s14+$0x0], $0xffff  }
0x17a: {  	v26 =	vadd.s32 $0x7, v2;
	v23 =	vand.u32 $0x3F, v23;
	v27 =	vunpack.i.l.bf16.f32 v8;
	v9 =	vld.idx.msk [tilespmem:v9+s15+$0x0], $0xffff  }
0x17b: {  	v26 =	vand.u32 $0x3F, v26;
	v23 =	vor.u32 v1, v23;
	v8 =	vunpack.i.u.bf16.f32 v8  }
0x17c: {  	v28 =	vadd.s32 $0x5, v2;
	v7 =	vadd.f32 v7, v16;
	v10 =	vsub.bf16 v11, v10;
	v11 =	vld.idx.msk [tilespmem:v17+s14+$0x0], $0xffff  }
0x17d: {  	v4 =	vadd.f32 v4, v6;
	v16 =	vld.idx.msk [tilespmem:v17+s15+$0x0], $0xffff;
	v17 =	vand.u32 $0x3F, v28;
	v28 =	vadd.s32 $0x9, v2  }
0x17e: {  	v12 =	vmul.bf16 v12, v12;
	v6 =	vmul.bf16 v10, v10;
	v10 =	vsub.bf16 v21, v20  }
0x17f: {  	v4 =	vadd.f32 v13, v4;
	v20 =	vadd.s32 $0x6, v2;
	v21 =	vadd.s32 $0x8, v2  }
0x180: {  	v7 =	vadd.f32 v27, v7;
	v13 =	vunpack.i.u.bf16.f32 v6;
	v6 =	vunpack.i.l.bf16.f32 v6;
	v29 =	vld.idx.msk [tilespmem:v23+s14+$0x0], $0xffff  }
0x181: {  	v4 =	vadd.f32 v14, v4;
	v20 =	vand.u32 $0x3F, v20;
	v10 =	vmul.bf16 v10, v10;
	v23 =	vld.idx.msk [tilespmem:v23+s15+$0x0], $0xffff  }
0x182: {  	v9 =	vsub.bf16 v22, v9;
	v14 =	vor.u32 v1, v20;
	v20 =	vunpack.i.l.bf16.f32 v12  }
0x183: {  	v7 =	vadd.f32 v20, v7;
	v22 =	vunpack.i.u.bf16.f32 v10;
	v10 =	vunpack.i.l.bf16.f32 v10  }
0x184: {  	v9 =	vmul.bf16 v9, v9;
	v11 =	vsub.bf16 v11, v16;
	v16 =	vor.u32 v1, v17  }
0x185: {  	v4 =	vadd.f32 v15, v4;
	v20 =	vand.u32 $0x38, v21;
	v17 =	vor.u32 v1, v26  }
0x186: {  	v5 =	vadd.f32 v5, v7;
	v15 =	vunpack.i.u.bf16.f32 v9;
	v9 =	vunpack.i.l.bf16.f32 v9  }
0x187: {  	v4 =	vadd.f32 v18, v4;
	v12 =	vunpack.i.u.bf16.f32 v12;
	v20 =	vor.u32 v20, v24;
	v7 =	vld.idx.msk [tilespmem:v14+s15+$0x0], $0xffff  }
0x188: {  	v5 =	vadd.f32 v6, v5;
	v6 =	vmul.bf16 v11, v11;
	v11 =	vld.idx.msk [tilespmem:v14+s14+$0x0], $0xffff;
	v14 =	vor.u32 v1, v20  }
0x189: {  	v4 =	vadd.f32 v8, v4;
	v21 =	vand.u32 $0x3F, v28;
	v18 =	vsub.bf16 v29, v23;
	v20 =	vld.idx.msk [tilespmem:v16+s14+$0x0], $0xffff  }
0x18a: {  	v5 =	vadd.f32 v10, v5;
	v8 =	vunpack.i.l.bf16.f32 v6;
	v10 =	vld.idx.msk [tilespmem:v16+s15+$0x0], $0xffff;
	v16 =	vor.u32 v1, v21  }
0x18b: {  	v4 =	vadd.f32 v12, v4;
	v23 =	vadd.s32 $0xA, v2;
	v18 =	vmul.bf16 v18, v18;
	v21 =	vld.idx.msk [tilespmem:v17+s15+$0x0], $0xffff  }
0x18c: {  	v12 =	vand.u32 $0x3F, v23;
	v5 =	vadd.f32 v9, v5;
	v9 =	vld.idx.msk [tilespmem:v17+s14+$0x0], $0xffff;
	v17 =	vadd.s32 $0xC, v2  }
0x18d: {  	v4 =	vadd.f32 v19, v4;
	v23 =	vunpack.i.u.bf16.f32 v18;
	v18 =	vunpack.i.l.bf16.f32 v18;
	v24 =	vld.idx.msk [tilespmem:v14+s14+$0x0], $0xffff  }
0x18e: {  	v6 =	vunpack.i.u.bf16.f32 v6;
	v12 =	vor.u32 v1, v12;
	v5 =	vadd.f32 v8, v5;
	v8 =	vld.idx.msk [tilespmem:v14+s15+$0x0], $0xffff  }
0x18f: {  	v19 =	vand.u32 $0x3F, v25;
	v4 =	vadd.f32 v13, v4;
	v14 =	vadd.s32 $0xB, v2;
	v13 =	vld.idx.msk [tilespmem:v16+s14+$0x0], $0xffff  }
0x190: {  	v7 =	vsub.bf16 v11, v7;
	v10 =	vsub.bf16 v20, v10;
	v14 =	vand.u32 $0x3F, v14;
	v11 =	vld.idx.msk [tilespmem:v16+s15+$0x0], $0xffff  }
0x191: {  	v4 =	vadd.f32 v22, v4;
	v5 =	vadd.f32 v18, v5;
	v14 =	vor.u32 v1, v14  }
0x192: {  	v18 =	vadd.s32 $0x10, v2;
	v10 =	vmul.bf16 v10, v10;
	v9 =	vsub.bf16 v9, v21;
	v16 =	vld.idx.msk [tilespmem:v3+s15+$0x0], $0xffff  }
0x193: {  	v4 =	vadd.f32 v15, v4;
	v15 =	vmul.bf16 v7, v7;
	v7 =	vand.u32 $0x3F, v17;
	v20 =	vld.idx.msk [tilespmem:v12+s14+$0x0], $0xffff  }
0x194: {  	v17 =	vunpack.i.l.bf16.f32 v10;
	v9 =	vmul.bf16 v9, v9;
	v8 =	vsub.bf16 v24, v8;
	v21 =	vld.idx.msk [tilespmem:v12+s15+$0x0], $0xffff  }
0x195: {  	v4 =	vadd.f32 v6, v4;
	v22 =	vor.u32 v1, v7;
	v12 =	vunpack.i.l.bf16.f32 v15;
	v24 =	vld.idx.msk [tilespmem:v3+s14+$0x0], $0xffff  }
0x196: {  	v7 =	vunpack.i.u.bf16.f32 v10;
	v3 =	vmul.bf16 v8, v8;
	v8 =	vsub.bf16 v13, v11;
	v10 =	vld.idx.msk [tilespmem:v14+s14+$0x0], $0xffff  }
0x197: {  	v19 =	vor.u32 v1, v19;
	v2 =	vadd.s32 $0xE, v2;
	v5 =	vadd.f32 v17, v5;
	v17 =	vld.idx.msk [tilespmem:v14+s15+$0x0], $0xffff  }
0x198: {  	v11 =	vadd.f32 v23, v4;
	v4 =	vunpack.i.u.bf16.f32 v3;
	v3 =	vunpack.i.l.bf16.f32 v3  }
.Ltmp5:
0x199: {  	v2 =	vand.u32 $0x3F, v2;
	v6 =	vunpack.i.u.bf16.f32 v9;
	v13 =	vunpack.i.l.bf16.f32 v9;
	(pc) =	sbr.rel @p1 .LBB2_13-.Ltmp5, $4  }
0x19a: {  	v11 =	vadd.f32 v7, v11;
	v14 =	vadd.f32 v12, v5;
	v12 =	vor.u32 v1, v2;
	v7 =	vld.idx.msk [tilespmem:v22+s14+$0x0], $0xffff  }
0x19b: {  	v2 =	vunpack.i.u.bf16.f32 v15;
	v15 =	vsub.bf16 v20, v21;
	v5 =	vsub.bf16 v24, v16;
	v9 =	vld.idx.msk [tilespmem:v22+s15+$0x0], $0xffff  }
0x19c: {  	v11 =	vadd.f32 v2, v11;
	v16 =	vadd.f32 v13, v14;
	v13 =	vmul.bf16 v8, v8;
	v8 =	vld.idx.msk [tilespmem:v19+s14+$0x0], $0xffff  }
0x19d: {  	v2 =	vand.u32 $0x3F, v18;
	v14 =	vmul.bf16 v15, v15;
	v15 =	vsub.bf16 v10, v17;
	v10 =	vld.idx.msk [tilespmem:v19+s15+$0x0], $0xffff  }
0x19e: {  	_ =	sdelay $0x2  }
0x19f: {  	v1 =	vadd.f32 v6, v11  }
0x1a0: {  	v2 =	vadd.f32 v3, v16;
	v55 =	vld.idx.msk [tilespmem:v12+s14+$0x0], $0xffff  }
0x1a1: {  	v3 =	vunpack.i.l.bf16.f32 v13;
	v56 =	vld.idx.msk [tilespmem:v12+s15+$0x0], $0xffff;
	v1 =	vadd.f32 v4, v1  }
0x1a2: {  	v57 =	vmul.bf16 v15, v15;
	v2 =	vadd.f32 v3, v2;
	v3 =	vunpack.i.u.bf16.f32 v13  }
0x1a3: {  	v58 =	vunpack.i.u.bf16.f32 v14;
	v1 =	vadd.f32 v3, v1  }
0x1a4: {  	v7 =	vsub.bf16 v7, v9;
	v59 =	vunpack.i.l.bf16.f32 v57;
	v3 =	vunpack.i.l.bf16.f32 v14  }
0x1a5: {  	v9 =	vunpack.i.u.bf16.f32 v57;
	v2 =	vadd.f32 v3, v2;
	v1 =	vadd.f32 v58, v1  }
0x1a6: {  	v8 =	vsub.bf16 v8, v10;
	v3 =	vmul.bf16 v7, v7;
	v4 =	vsub.bf16 v55, v56  }
0x1a7: {  	v2 =	vadd.f32 v59, v2;
	v1 =	vadd.f32 v9, v1  }
0x1a8: {  	v8 =	vmul.bf16 v8, v8;
	v60 =	vunpack.i.u.bf16.f32 v3;
	v3 =	vunpack.i.l.bf16.f32 v3  }
0x1a9: {  	v2 =	vadd.f32 v3, v2;
	v1 =	vadd.f32 v60, v1  }
0x1aa: {  	v4 =	vmul.bf16 v4, v4;
	v61 =	vunpack.i.u.bf16.f32 v8;
	v3 =	vunpack.i.l.bf16.f32 v8  }
0x1ab: {  	v2 =	vadd.f32 v3, v2;
	v1 =	vadd.f32 v61, v1  }
0x1ac: {  	v62 =	vunpack.i.l.bf16.f32 v4;
	v4 =	vunpack.i.u.bf16.f32 v4;
	v3 =	vmul.bf16 v5, v5  }
0x1ad: {  	v2 =	vadd.f32 v62, v2;
	v1 =	vadd.f32 v4, v1  }
0x1ae: {  	v63 =	vunpack.i.u.bf16.f32 v3;
	v3 =	vunpack.i.l.bf16.f32 v3  }
0x1af: {  	v2 =	vadd.f32 v3, v2;
	v1 =	vadd.f32 v63, v1;
	_ =	sdelay $0x1  }
0x1b0: {  	v1 =	vadd.f32 v1, v2;
	_ =	sdelay $0x1  }
0x1b1: {  	v1 =	vmul.f32 $-7.812500000e-03, v1;
	_ =	sdelay $0x1  }
0x1b2: {  	v1 =	vmul.f32 $1.442695020e+00, v1;
	_ =	sdelay $0x1  }
0x1b3: {  	(erf) = vpow2.f32 v1;
	_ =	sdelay $0x4  }
0x1b4: {  	v1 =	vld [tilespmem:s25+$0x74E0];
	_ =	sdelay $0x3  }
0x1b5: {  	v2 =	vpop (erf)  }
0x1b6: {  	s24 =	sadd.s32 $0x1, s24;
	v1 =	vsub.f32 v1, v2  }
0x1b7: {  	p1 =	sne.s32 s24, $0x5  }
.Ltmp6:
0x1b8: {  	v2 =	vmul.f32 $5.000000000e-01, v1;
	(pc) =	sbr.rel @p1 .LBB2_12-.Ltmp6, $3  }
0x1b9: {  	_ = 	snop  }
0x1ba: {  	v1 =	vmul.f32 v2, v1;
	_ =	sdelay $0x1  }
0x1bb: {  	v0 =	vadd.f32 v1, v0  }
0x1bc: {  	s23 =	sadd.s32 $0x1, s23  }
0x1bd: {  	p1 =	sne.s32 s23, s8  }
.Ltmp7:
0x1be: {  	[tilespmem:$0xC530] =	vst v0;
	(pc) =	sbr.rel @p1 .LBB2_1-.Ltmp7, $4  }
0x1bf: {  	[hbm4b:s7+s3] =	stream.linear.scatter [tilespmem:s22], [sflag:$0x5], $0x10, $0x38;
	[tilespmem:$0x16180] =	vst v63  }
0x1c0: {  	_ =	swait.ge [sflag:s10], $0x10  }
0x1c1: {  	[sflag:s10] =	ssyncset.done $0x0  }
0x1c2: {  	[sflag:s10] =	ssyncadd.s32 $0xFFFFFFF0  }
0x1c3: {  	_ =	sfence.sel $0x180000  }
0x1c4: {  	[bflag:$0x0] =	sbarrier.arrive $0xFFFF  }
0x1c5: {  	_ =	strace $0x90000047  }
0x1c6: {  	s0 =	sadd.s32 @!p0 $0x100000, s1;
	[bflag:$0x2] =	sbarrier.arrive $0xFFFF  }
0x1c7: {  	[sflag:s0] =	ssyncadd.tile.s32 @!p0 $0x1;
	_ =	shalt  }
.Lfunc_end2:
_tile_overlayer_lowered:
.L_overlay_start_2:
0x1c8: {  	(tag) =	ssettag $0x2  }
0x1c9: {  	s0 =	rddreg [dreg:$0x0];
	s2 =	stileid.u32  }
0x1ca: {  	s1 =	rddreg [dreg:$0x1];
	p0 =	sne.s32 s2, $0x0  }
0x1cb: {  	s3 =	rddreg [dreg:$0x2];
	[bflag:$0x3] =	sbarrier.arrive $0xFFFF;
	s2 =	simm.s32 @!p0 $0x1C05  }
0x1cc: {  	[timem:s3], [sflag:s2] =	dma.local @!p0 [hbm:s0], s1  }
0x1cd: {  	s0 =	simm.s32 @!p0 $0x5  }
0x1ce: {  	_ =	swait.ge @!p0 [sflag:s0], s1  }
0x1cf: {  	s1 =	ssub.s32 @!p0 $0x0, s1;
	[sflag:s0] =	ssyncset.done @!p0 $0x0  }
0x1d0: {  	[sflag:s0] =	ssyncadd.s32 @!p0 s1  }
0x1d1: {  	[bflag:$0x3] =	sbarrier.arrive $0xFFFF  }
0x1d2: {  	_ =	shalt  }

</sc_bundles>
